<compile_context>
chip_gen: v7x
topology: tpu7x:2x2x1
jax: 0.10.2.dev20260603
libtpu: 0.0.44.dev20260713+nightly
codegen_flags: <defaults>
</compile_context>

<pallas_src>
import functools
import math

import jax
import jax.numpy as jnp
from jax import lax
from jax.experimental import pallas as pl
from jax.experimental.pallas import tpu as pltpu
from jax.experimental.pallas import tpu_sc as plsc


@functools.cache
def _make_sc_kernel(B: int, D: int, V: int):
    info = plsc.get_sparse_core_info()
    NC, NS, L = info.num_cores, info.num_subcores, info.num_lanes
    NW = NC * NS
    assert B % (8 * NW) == 0 and D % L == 0
    b_per_w = B // NW
    CH = 8
    NIN = 5
    NOUT = 2
    LEAD = 4
    STEP = NIN * NOUT // math.gcd(NIN, NOUT)
    n_chunks = b_per_w // CH
    vecs_per_row = D // L
    assert vecs_per_row & (vecs_per_row - 1) == 0
    row_shift = vecs_per_row.bit_length() - 1
    scale = jnp.float32(math.sqrt(D))
    mesh = plsc.VectorSubcoreMesh(core_axis_name="c", subcore_axis_name="s")

    @functools.partial(
        pl.kernel,
        mesh=mesh,
        out_type=jax.ShapeDtypeStruct((B, D), jnp.float32),
        scratch_types=[
            pltpu.VMEM((b_per_w,), jnp.int32),
            pltpu.VMEM((NIN, CH, D), jnp.float32),
            pltpu.VMEM((NOUT, CH, D), jnp.float32),
        ]
        + [pltpu.SemaphoreType.DMA] * (NIN + NOUT),
    )
    def k(x_hbm, table_hbm, out_hbm, idx_v, rows_in, rows_out, *sems):
        sem_in = sems[:NIN]
        sem_out = sems[NIN:]
        wid = lax.axis_index("s") * NC + lax.axis_index("c")
        base = wid * b_per_w
        pltpu.sync_copy(x_hbm.at[pl.ds(base, b_per_w)], idx_v)

        def start_gather(ci, b):
            pltpu.async_copy(
                table_hbm.at[idx_v.at[pl.ds(ci * CH, CH)]],
                rows_in.at[b],
                sem_in[b],
            )

        def wait_gather(ci, b):
            pltpu.make_async_copy(
                table_hbm.at[idx_v.at[pl.ds(ci * CH, CH)]],
                rows_in.at[b],
                sem_in[b],
            ).wait()

        def start_out(ci, b):
            pltpu.async_copy(
                rows_out.at[b],
                out_hbm.at[pl.ds(base + ci * CH, CH)],
                sem_out[b],
            )

        def wait_out(ci, b):
            pltpu.make_async_copy(
                rows_out.at[b],
                out_hbm.at[pl.ds(base + ci * CH, CH)],
                sem_out[b],
            ).wait()

        for ci in range(LEAD):
            start_gather(ci, ci % NIN)

        @pl.loop(0, n_chunks, step=STEP)
        def _(g0):
            for b in range(STEP):
                ci = g0 + b
                bi = b % NIN
                bo = b % NOUT

                @pl.when(ci < n_chunks)
                def _():
                    cn = ci + LEAD
                    bn = (b + LEAD) % NIN

                    @pl.when(cn < n_chunks)
                    def _():
                        start_gather(cn, bn)

                    wait_gather(ci, bi)

                    @pl.when(ci >= NOUT)
                    def _():
                        wait_out(ci - NOUT, bo)

                    @plsc.parallel_loop(0, CH * vecs_per_row, unroll=8)
                    def _(i):
                        r = i >> row_shift
                        sl = pl.ds((i & (vecs_per_row - 1)) * L, L)
                        rows_out[bo, r, sl] = rows_in[bi, r, sl] * scale

                    start_out(ci, bo)

        for j in range(NOUT):
            ci = n_chunks - NOUT + j
            wait_out(ci, ci % NOUT)

    return k


def kernel(x, table):
    b, s = x.shape
    v, d = table.shape
    xf = x.reshape(b * s).astype(jnp.int32)
    out = _make_sc_kernel(b * s, d, v)(xf, table)
    return out.reshape(b, s, d)

# --- scband reference (transcript-rebuilt; emitter-appended) ---
"""Pipeline reference for scband-input-embeddings-4432406250118 (READ-ONLY COPY).

The authoritative reference and input builder live on the scoring server;
editing this copy changes nothing except your own understanding.
"""

import jax, jax.numpy as jnp
import numpy as np
import math

D_MODEL = 2048
VOCAB_SIZE = 100000
BATCH = 4
SEQ_LEN = 8192


def setup_inputs(seed: int = 0) -> dict:
    key = jax.random.key(seed)
    k1, k2 = jax.random.split(key)
    x = jax.random.randint(k1, (BATCH, SEQ_LEN), 0, VOCAB_SIZE, dtype=jnp.int64 if jax.config.jax_enable_x64 else jnp.int32)
    table = jax.random.normal(k2, (VOCAB_SIZE, D_MODEL), dtype=jnp.float32)
    return {"x": x, "table": table}


def reference(x, table):
    # nn.Embedding lookup followed by scaling with sqrt(d_model)
    emb = jnp.take(table, x, axis=0)  # [B, S, d_model]
    return emb * math.sqrt(D_MODEL)

if __name__ == "__main__":
    import jax
    _d = setup_inputs()
    print(jax.jit(kernel)(*tuple(_d.values())))

</pallas_src>

<mosaic_0001>
#map = affine_map<(d0, d1) -> (0)>
#map1 = affine_map<(d0, d1) -> (0, 0)>
module attributes {stable_mosaic.version = 14 : i64} {
  func.func @_rewritten_body(%arg0: i32, %arg1: i32, %arg2: memref<32768xi32, #tpu.memory_space<hbm>>, %arg3: memref<100000x2048xf32, #tpu.memory_space<hbm>>, %arg4: memref<1xf32, #tpu.memory_space<hbm>>, %arg5: memref<32768x2048xf32, #tpu.memory_space<hbm>>, %arg6: memref<1024xi32, #tpu.memory_space<vmem>>, %arg7: memref<5x8x2048xf32, #tpu.memory_space<vmem>>, %arg8: memref<2x8x2048xf32, #tpu.memory_space<vmem>>, %arg9: memref<!tpu.dma_semaphore, #tpu.memory_space<semaphore_mem>>, %arg10: memref<!tpu.dma_semaphore, #tpu.memory_space<semaphore_mem>>, %arg11: memref<!tpu.dma_semaphore, #tpu.memory_space<semaphore_mem>>, %arg12: memref<!tpu.dma_semaphore, #tpu.memory_space<semaphore_mem>>, %arg13: memref<!tpu.dma_semaphore, #tpu.memory_space<semaphore_mem>>, %arg14: memref<!tpu.dma_semaphore, #tpu.memory_space<semaphore_mem>>, %arg15: memref<!tpu.dma_semaphore, #tpu.memory_space<semaphore_mem>>) attributes {dimension_semantics = [#tpu.dimension_semantics<core_parallel>, #tpu.dimension_semantics<subcore_parallel>], iteration_bounds = array<i64: 2, 16>, scalar_prefetch = 0 : i64, scratch_operands = 10 : i64, tpu.core_type = #tpu.core_type<sc_vector_subcore>, window_params = [{transform_indices = #map}, {transform_indices = #map1}, {transform_indices = #map}, {transform_indices = #map1}]} {
    %empty_ref3A = memref.alloca() : memref<16xf32, #tpu.memory_space<vmem>>
    "tpu.region"() ({
      %run_scoped3A = tpu.sem_alloc : memref<!tpu.dma_semaphore, #tpu.memory_space<semaphore_mem>>
      %dma_start3A_77 = arith.constant 0 : i32
      %dma_start3A_78 = tpu.memref_slice %empty_ref3A[%dma_start3A_77] : memref<16xf32, #tpu.memory_space<vmem>> -> memref<1xf32, #tpu.memory_space<vmem>>
      %dma_start3A_79 = arith.constant 0 : i32
      %dma_start3A_80 = tpu.memref_slice %empty_ref3A[%dma_start3A_79] : memref<16xf32, #tpu.memory_space<vmem>> -> memref<1xf32, #tpu.memory_space<vmem>>
      tpu.enqueue_dma source(%arg4 : memref<1xf32, #tpu.memory_space<hbm>>) target(%dma_start3A_80 : memref<1xf32, #tpu.memory_space<vmem>>) target_semaphore(%run_scoped3A : memref<!tpu.dma_semaphore, #tpu.memory_space<semaphore_mem>>)
      %dma_wait3A_81 = arith.constant 0 : i32
      %dma_wait3A_82 = tpu.memref_slice %empty_ref3A[%dma_wait3A_81] : memref<16xf32, #tpu.memory_space<vmem>> -> memref<1xf32, #tpu.memory_space<vmem>>
      %dma_wait3A_83 = arith.constant 0 : i32
      %dma_wait3A_84 = tpu.memref_slice %empty_ref3A[%dma_wait3A_83] : memref<16xf32, #tpu.memory_space<vmem>> -> memref<1xf32, #tpu.memory_space<vmem>>
      tpu.wait_dma2 semaphore(%run_scoped3A : memref<!tpu.dma_semaphore, #tpu.memory_space<semaphore_mem>>) src(%arg4 : memref<1xf32, #tpu.memory_space<hbm>>) dst(%dma_wait3A_84 : memref<1xf32, #tpu.memory_space<vmem>>)
      tpu.yield
    }) : () -> ()
    %get3A = arith.constant 0 : index
    %get3A_0 = tpu.vector_load %empty_ref3A[%get3A] {strides = array<i32>} : memref<16xf32, #tpu.memory_space<vmem>>, vector<16xf32>,
    %get3A_1 = vector.shape_cast %get3A_0 : vector<16xf32> to vector<16xf32>
    %slice3A = vector.extract_strided_slice %get3A_1 {offsets = [0], sizes = [1], strides = [1]} : vector<16xf32> to vector<1xf32>
    %squeeze3A = vector.extract %slice3A[0] : f32 from vector<1xf32>
    %mul3A = arith.constant 2 : i32
    %mul3A_2 = arith.muli %arg1, %mul3A : i32
    %add3A = arith.addi %mul3A_2, %arg0 : i32
    %mul3A_3 = arith.constant 1024 : i32
    %mul3A_4 = arith.muli %add3A, %mul3A_3 : i32
    "tpu.region"() ({
      %run_scoped3A = tpu.sem_alloc : memref<!tpu.dma_semaphore, #tpu.memory_space<semaphore_mem>>
      %dma_start3A_77 = tpu.memref_slice %arg2[%mul3A_4] : memref<32768xi32, #tpu.memory_space<hbm>> -> memref<1024xi32, #tpu.memory_space<hbm>>
      %dma_start3A_78 = tpu.memref_slice %arg2[%mul3A_4] : memref<32768xi32, #tpu.memory_space<hbm>> -> memref<1024xi32, #tpu.memory_space<hbm>>
      tpu.enqueue_dma source(%dma_start3A_78 : memref<1024xi32, #tpu.memory_space<hbm>>) target(%arg6 : memref<1024xi32, #tpu.memory_space<vmem>>) target_semaphore(%run_scoped3A : memref<!tpu.dma_semaphore, #tpu.memory_space<semaphore_mem>>)
      %dma_wait3A_79 = tpu.memref_slice %arg2[%mul3A_4] : memref<32768xi32, #tpu.memory_space<hbm>> -> memref<1024xi32, #tpu.memory_space<hbm>>
      %dma_wait3A_80 = tpu.memref_slice %arg2[%mul3A_4] : memref<32768xi32, #tpu.memory_space<hbm>> -> memref<1024xi32, #tpu.memory_space<hbm>>
      tpu.wait_dma2 semaphore(%run_scoped3A : memref<!tpu.dma_semaphore, #tpu.memory_space<semaphore_mem>>) src(%dma_wait3A_80 : memref<1024xi32, #tpu.memory_space<hbm>>) dst(%arg6 : memref<1024xi32, #tpu.memory_space<vmem>>)
      tpu.yield
    }) : () -> ()
    %dma_start3A = arith.constant 0 : i32
    %dma_start3A_5 = arith.constant 0 : i32
    %dma_start3A_6 = arith.constant 0 : i32
    %dma_start3A_7 = tpu.memref_slice %arg7[%dma_start3A, %dma_start3A_5, %dma_start3A_6] : memref<5x8x2048xf32, #tpu.memory_space<vmem>> -> memref<1x8x2048xf32, #tpu.memory_space<vmem>>
    %dma_start3A_8 = tpu.memref_squeeze %dma_start3A_7 : memref<1x8x2048xf32, #tpu.memory_space<vmem>> -> memref<8x2048xf32, #tpu.memory_space<vmem>>
    %dma_start3A_9 = arith.constant 0 : i32
    %dma_start3A_10 = tpu.memref_slice %arg6[%dma_start3A_9] : memref<1024xi32, #tpu.memory_space<vmem>> -> memref<8xi32, #tpu.memory_space<vmem>>
    %dma_start3A_11 = arith.constant 0 : i32
    %dma_start3A_12 = arith.constant 0 : i32
    %dma_start3A_13 = tpu.memref_slice %arg3[%dma_start3A_11, %dma_start3A_12] : memref<100000x2048xf32, #tpu.memory_space<hbm>> -> memref<100000x2048xf32, #tpu.memory_space<hbm>>
    tpu.enqueue_indirect_dma source(%dma_start3A_13 : memref<100000x2048xf32, #tpu.memory_space<hbm>>) target(%dma_start3A_8 : memref<8x2048xf32, #tpu.memory_space<vmem>>) offsets(%dma_start3A_10 : memref<8xi32, #tpu.memory_space<vmem>>) semaphore(%arg9 : memref<!tpu.dma_semaphore, #tpu.memory_space<semaphore_mem>>)
    %dma_start3A_14 = arith.constant 1 : i32
    %dma_start3A_15 = arith.constant 0 : i32
    %dma_start3A_16 = arith.constant 0 : i32
    %dma_start3A_17 = tpu.memref_slice %arg7[%dma_start3A_14, %dma_start3A_15, %dma_start3A_16] : memref<5x8x2048xf32, #tpu.memory_space<vmem>> -> memref<1x8x2048xf32, #tpu.memory_space<vmem>>
    %dma_start3A_18 = tpu.memref_squeeze %dma_start3A_17 : memref<1x8x2048xf32, #tpu.memory_space<vmem>> -> memref<8x2048xf32, #tpu.memory_space<vmem>>
    %dma_start3A_19 = arith.constant 8 : i32
    %dma_start3A_20 = tpu.memref_slice %arg6[%dma_start3A_19] : memref<1024xi32, #tpu.memory_space<vmem>> -> memref<8xi32, #tpu.memory_space<vmem>>
    %dma_start3A_21 = arith.constant 0 : i32
    %dma_start3A_22 = arith.constant 0 : i32
    %dma_start3A_23 = tpu.memref_slice %arg3[%dma_start3A_21, %dma_start3A_22] : memref<100000x2048xf32, #tpu.memory_space<hbm>> -> memref<100000x2048xf32, #tpu.memory_space<hbm>>
    tpu.enqueue_indirect_dma source(%dma_start3A_23 : memref<100000x2048xf32, #tpu.memory_space<hbm>>) target(%dma_start3A_18 : memref<8x2048xf32, #tpu.memory_space<vmem>>) offsets(%dma_start3A_20 : memref<8xi32, #tpu.memory_space<vmem>>) semaphore(%arg10 : memref<!tpu.dma_semaphore, #tpu.memory_space<semaphore_mem>>)
    %dma_start3A_24 = arith.constant 2 : i32
    %dma_start3A_25 = arith.constant 0 : i32
    %dma_start3A_26 = arith.constant 0 : i32
    %dma_start3A_27 = tpu.memref_slice %arg7[%dma_start3A_24, %dma_start3A_25, %dma_start3A_26] : memref<5x8x2048xf32, #tpu.memory_space<vmem>> -> memref<1x8x2048xf32, #tpu.memory_space<vmem>>
    %dma_start3A_28 = tpu.memref_squeeze %dma_start3A_27 : memref<1x8x2048xf32, #tpu.memory_space<vmem>> -> memref<8x2048xf32, #tpu.memory_space<vmem>>
    %dma_start3A_29 = arith.constant 16 : i32
    %dma_start3A_30 = tpu.memref_slice %arg6[%dma_start3A_29] : memref<1024xi32, #tpu.memory_space<vmem>> -> memref<8xi32, #tpu.memory_space<vmem>>
    %dma_start3A_31 = arith.constant 0 : i32
    %dma_start3A_32 = arith.constant 0 : i32
    %dma_start3A_33 = tpu.memref_slice %arg3[%dma_start3A_31, %dma_start3A_32] : memref<100000x2048xf32, #tpu.memory_space<hbm>> -> memref<100000x2048xf32, #tpu.memory_space<hbm>>
    tpu.enqueue_indirect_dma source(%dma_start3A_33 : memref<100000x2048xf32, #tpu.memory_space<hbm>>) target(%dma_start3A_28 : memref<8x2048xf32, #tpu.memory_space<vmem>>) offsets(%dma_start3A_30 : memref<8xi32, #tpu.memory_space<vmem>>) semaphore(%arg11 : memref<!tpu.dma_semaphore, #tpu.memory_space<semaphore_mem>>)
    %dma_start3A_34 = arith.constant 3 : i32
    %dma_start3A_35 = arith.constant 0 : i32
    %dma_start3A_36 = arith.constant 0 : i32
    %dma_start3A_37 = tpu.memref_slice %arg7[%dma_start3A_34, %dma_start3A_35, %dma_start3A_36] : memref<5x8x2048xf32, #tpu.memory_space<vmem>> -> memref<1x8x2048xf32, #tpu.memory_space<vmem>>
    %dma_start3A_38 = tpu.memref_squeeze %dma_start3A_37 : memref<1x8x2048xf32, #tpu.memory_space<vmem>> -> memref<8x2048xf32, #tpu.memory_space<vmem>>
    %dma_start3A_39 = arith.constant 24 : i32
    %dma_start3A_40 = tpu.memref_slice %arg6[%dma_start3A_39] : memref<1024xi32, #tpu.memory_space<vmem>> -> memref<8xi32, #tpu.memory_space<vmem>>
    %dma_start3A_41 = arith.constant 0 : i32
    %dma_start3A_42 = arith.constant 0 : i32
    %dma_start3A_43 = tpu.memref_slice %arg3[%dma_start3A_41, %dma_start3A_42] : memref<100000x2048xf32, #tpu.memory_space<hbm>> -> memref<100000x2048xf32, #tpu.memory_space<hbm>>
    tpu.enqueue_indirect_dma source(%dma_start3A_43 : memref<100000x2048xf32, #tpu.memory_space<hbm>>) target(%dma_start3A_38 : memref<8x2048xf32, #tpu.memory_space<vmem>>) offsets(%dma_start3A_40 : memref<8xi32, #tpu.memory_space<vmem>>) semaphore(%arg12 : memref<!tpu.dma_semaphore, #tpu.memory_space<semaphore_mem>>)
    %scan3A = arith.constant 0 : i32
    %scan3A_44 = arith.constant 13 : i32
    %scan3A_45 = arith.addi %scan3A, %scan3A_44 : i32
    %scan3A_46 = arith.constant 1 : i32
    scf.for %scan3A_77 = %scan3A to %scan3A_45 step %scan3A_46  : i32 {
      %mul3A_78 = arith.constant 10 : i32
      %mul3A_79 = arith.muli %scan3A_77, %mul3A_78 : i32
      %add3A_80 = arith.constant 0 : i32
      %add3A_81 = arith.addi %add3A_80, %mul3A_79 : i32
      %add3A_82 = arith.constant 0 : i32
      %add3A_83 = arith.addi %add3A_81, %add3A_82 : i32
      %lt3A = arith.constant 128 : i32
      %lt3A_84 = arith.cmpi slt, %add3A_83, %lt3A : i32
      %convert_element_type3A = arith.extui %lt3A_84 : i1 to i32
      %cond3A = arith.constant 0 : i32
      %cond3A_85 = arith.cmpi ne, %convert_element_type3A, %cond3A : i32
      scf.if %cond3A_85 {
        %add3A_149 = arith.constant 4 : i32
        %add3A_150 = arith.addi %add3A_83, %add3A_149 : i32
        %lt3A_151 = arith.constant 128 : i32
        %lt3A_152 = arith.cmpi slt, %add3A_150, %lt3A_151 : i32
        %convert_element_type3A_153 = arith.extui %lt3A_152 : i1 to i32
        %cond3A_154 = arith.constant 0 : i32
        %cond3A_155 = arith.cmpi ne, %convert_element_type3A_153, %cond3A_154 : i32
        scf.if %cond3A_155 {
          %mul3A_189 = arith.constant 8 : i32
          %mul3A_190 = arith.muli %add3A_150, %mul3A_189 : i32
          %dma_start3A_191 = arith.constant 4 : i32
          %dma_start3A_192 = arith.constant 0 : i32
          %dma_start3A_193 = arith.constant 0 : i32
          %dma_start3A_194 = tpu.memref_slice %arg7[%dma_start3A_191, %dma_start3A_192, %dma_start3A_193] : memref<5x8x2048xf32, #tpu.memory_space<vmem>> -> memref<1x8x2048xf32, #tpu.memory_space<vmem>>
          %dma_start3A_195 = tpu.memref_squeeze %dma_start3A_194 : memref<1x8x2048xf32, #tpu.memory_space<vmem>> -> memref<8x2048xf32, #tpu.memory_space<vmem>>
          %dma_start3A_196 = tpu.memref_slice %arg6[%mul3A_190] : memref<1024xi32, #tpu.memory_space<vmem>> -> memref<8xi32, #tpu.memory_space<vmem>>
          %dma_start3A_197 = arith.constant 0 : i32
          %dma_start3A_198 = arith.constant 0 : i32
          %dma_start3A_199 = tpu.memref_slice %arg3[%dma_start3A_197, %dma_start3A_198] : memref<100000x2048xf32, #tpu.memory_space<hbm>> -> memref<100000x2048xf32, #tpu.memory_space<hbm>>
          tpu.enqueue_indirect_dma source(%dma_start3A_199 : memref<100000x2048xf32, #tpu.memory_space<hbm>>) target(%dma_start3A_195 : memref<8x2048xf32, #tpu.memory_space<vmem>>) offsets(%dma_start3A_196 : memref<8xi32, #tpu.memory_space<vmem>>) semaphore(%arg13 : memref<!tpu.dma_semaphore, #tpu.memory_space<semaphore_mem>>)
        } else {
        }
        %mul3A_156 = arith.constant 8 : i32
        %mul3A_157 = arith.muli %add3A_83, %mul3A_156 : i32
        %dma_wait3A_158 = arith.constant 0 : i32
        %dma_wait3A_159 = arith.constant 0 : i32
        %dma_wait3A_160 = arith.constant 0 : i32
        %dma_wait3A_161 = tpu.memref_slice %arg7[%dma_wait3A_158, %dma_wait3A_159, %dma_wait3A_160] : memref<5x8x2048xf32, #tpu.memory_space<vmem>> -> memref<1x8x2048xf32, #tpu.memory_space<vmem>>
        %dma_wait3A_162 = tpu.memref_squeeze %dma_wait3A_161 : memref<1x8x2048xf32, #tpu.memory_space<vmem>> -> memref<8x2048xf32, #tpu.memory_space<vmem>>
        %dma_wait3A_163 = tpu.memref_slice %arg6[%mul3A_157] : memref<1024xi32, #tpu.memory_space<vmem>> -> memref<8xi32, #tpu.memory_space<vmem>>
        %dma_wait3A_164 = arith.constant 0 : i32
        %dma_wait3A_165 = arith.constant 0 : i32
        %dma_wait3A_166 = tpu.memref_slice %arg3[%dma_wait3A_164, %dma_wait3A_165] : memref<100000x2048xf32, #tpu.memory_space<hbm>> -> memref<100000x2048xf32, #tpu.memory_space<hbm>>
        tpu.wait_indirect_dma semaphore(%arg9 : memref<!tpu.dma_semaphore, #tpu.memory_space<semaphore_mem>>) src(%dma_wait3A_166 : memref<100000x2048xf32, #tpu.memory_space<hbm>>) dst(%dma_wait3A_162 : memref<8x2048xf32, #tpu.memory_space<vmem>>)
        %ge3A = arith.constant 2 : i32
        %ge3A_167 = arith.cmpi sge, %add3A_83, %ge3A : i32
        %convert_element_type3A_168 = arith.extui %ge3A_167 : i1 to i32
        %cond3A_169 = arith.constant 0 : i32
        %cond3A_170 = arith.cmpi ne, %convert_element_type3A_168, %cond3A_169 : i32
        scf.if %cond3A_170 {
          %sub3A = arith.constant 2 : i32
          %sub3A_189 = arith.subi %add3A_83, %sub3A : i32
          %mul3A_190 = arith.constant 8 : i32
          %mul3A_191 = arith.muli %sub3A_189, %mul3A_190 : i32
          %add3A_192 = arith.addi %mul3A_4, %mul3A_191 : i32
          %dma_wait3A_193 = arith.constant 0 : i32
          %dma_wait3A_194 = arith.constant 0 : i32
          %dma_wait3A_195 = arith.constant 0 : i32
          %dma_wait3A_196 = tpu.memref_slice %arg8[%dma_wait3A_193, %dma_wait3A_194, %dma_wait3A_195] : memref<2x8x2048xf32, #tpu.memory_space<vmem>> -> memref<1x8x2048xf32, #tpu.memory_space<vmem>>
          %dma_wait3A_197 = tpu.memref_squeeze %dma_wait3A_196 : memref<1x8x2048xf32, #tpu.memory_space<vmem>> -> memref<8x2048xf32, #tpu.memory_space<vmem>>
          %dma_wait3A_198 = arith.constant 0 : i32
          %dma_wait3A_199 = tpu.memref_slice %arg5[%add3A_192, %dma_wait3A_198] : memref<32768x2048xf32, #tpu.memory_space<hbm>> -> memref<8x2048xf32, #tpu.memory_space<hbm>>
          %dma_wait3A_200 = arith.constant 0 : i32
          %dma_wait3A_201 = tpu.memref_slice %arg5[%add3A_192, %dma_wait3A_200] : memref<32768x2048xf32, #tpu.memory_space<hbm>> -> memref<8x2048xf32, #tpu.memory_space<hbm>>
          %dma_wait3A_202 = arith.constant 0 : i32
          %dma_wait3A_203 = arith.constant 0 : i32
          %dma_wait3A_204 = tpu.memref_slice %arg8[%dma_wait3A_193, %dma_wait3A_202, %dma_wait3A_203] : memref<2x8x2048xf32, #tpu.memory_space<vmem>> -> memref<1x8x2048xf32, #tpu.memory_space<vmem>>
          %dma_wait3A_205 = tpu.memref_squeeze %dma_wait3A_204 : memref<1x8x2048xf32, #tpu.memory_space<vmem>> -> memref<8x2048xf32, #tpu.memory_space<vmem>>
          tpu.wait_dma2 semaphore(%arg14 : memref<!tpu.dma_semaphore, #tpu.memory_space<semaphore_mem>>) src(%dma_wait3A_205 : memref<8x2048xf32, #tpu.memory_space<vmem>>) dst(%dma_wait3A_201 : memref<8x2048xf32, #tpu.memory_space<hbm>>)
        } else {
        }
        %parallel_loop3A = arith.constant 0 : i32
        %parallel_loop3A_171 = arith.constant 1024 : i32
        %parallel_loop3A_172 = arith.constant 1 : i32
        scf.for %parallel_loop3A_189 = %parallel_loop3A to %parallel_loop3A_171 step %parallel_loop3A_172  : i32 {
          %parallel_loop3A_190 = arith.constant 7 : i32
          %parallel_loop3A_191 = arith.shrsi %parallel_loop3A_189, %parallel_loop3A_190 : i32
          %parallel_loop3A_192 = arith.constant 127 : i32
          %parallel_loop3A_193 = arith.andi %parallel_loop3A_189, %parallel_loop3A_192 : i32
          %parallel_loop3A_194 = arith.constant 16 : i32
          %parallel_loop3A_195 = arith.muli %parallel_loop3A_193, %parallel_loop3A_194 : i32
          %parallel_loop3A_196 = arith.constant 0 : i32
          %parallel_loop3A_197 = arith.index_cast %parallel_loop3A_196 : i32 to index
          %parallel_loop3A_198 = arith.index_cast %parallel_loop3A_191 : i32 to index
          %parallel_loop3A_199 = arith.index_cast %parallel_loop3A_195 : i32 to index
          %parallel_loop3A_200 = tpu.vector_load %arg7[%parallel_loop3A_197, %parallel_loop3A_198, %parallel_loop3A_199] {strides = array<i32>} : memref<5x8x2048xf32, #tpu.memory_space<vmem>>, vector<1x1x16xf32>,
          %parallel_loop3A_201 = vector.shape_cast %parallel_loop3A_200 : vector<1x1x16xf32> to vector<16xf32>
          %parallel_loop3A_202 = vector.broadcast %squeeze3A : f32 to vector<16xf32>
          %parallel_loop3A_203 = arith.mulf %parallel_loop3A_201, %parallel_loop3A_202 : vector<16xf32>
          %parallel_loop3A_204 = arith.constant 0 : i32
          %parallel_loop3A_205 = arith.index_cast %parallel_loop3A_204 : i32 to index
          %parallel_loop3A_206 = arith.index_cast %parallel_loop3A_191 : i32 to index
          %parallel_loop3A_207 = arith.index_cast %parallel_loop3A_195 : i32 to index
          %parallel_loop3A_208 = tpu.vector_load %arg8[%parallel_loop3A_205, %parallel_loop3A_206, %parallel_loop3A_207] {strides = array<i32>} : memref<2x8x2048xf32, #tpu.memory_space<vmem>>, vector<1x1x16xf32>,
          %parallel_loop3A_209 = vector.shape_cast %parallel_loop3A_208 : vector<1x1x16xf32> to vector<16xf32>
          %parallel_loop3A_210 = vector.shape_cast %parallel_loop3A_203 : vector<16xf32> to vector<1x1x16xf32>
          tpu.vector_store %arg8[%parallel_loop3A_205, %parallel_loop3A_206, %parallel_loop3A_207], %parallel_loop3A_210 {strides = array<i32>} : memref<2x8x2048xf32, #tpu.memory_space<vmem>>, vector<1x1x16xf32>,
        } {sc.loop_unroll_factor = 8 : i64, sc.parallel_access}
        %mul3A_173 = arith.constant 8 : i32
        %mul3A_174 = arith.muli %add3A_83, %mul3A_173 : i32
        %add3A_175 = arith.addi %mul3A_4, %mul3A_174 : i32
        %dma_start3A_176 = arith.constant 0 : i32
        %dma_start3A_177 = arith.constant 0 : i32
        %dma_start3A_178 = arith.constant 0 : i32
        %dma_start3A_179 = tpu.memref_slice %arg8[%dma_start3A_176, %dma_start3A_177, %dma_start3A_178] : memref<2x8x2048xf32, #tpu.memory_space<vmem>> -> memref<1x8x2048xf32, #tpu.memory_space<vmem>>
        %dma_start3A_180 = tpu.memref_squeeze %dma_start3A_179 : memref<1x8x2048xf32, #tpu.memory_space<vmem>> -> memref<8x2048xf32, #tpu.memory_space<vmem>>
        %dma_start3A_181 = arith.constant 0 : i32
        %dma_start3A_182 = tpu.memref_slice %arg5[%add3A_175, %dma_start3A_181] : memref<32768x2048xf32, #tpu.memory_space<hbm>> -> memref<8x2048xf32, #tpu.memory_space<hbm>>
        %dma_start3A_183 = arith.constant 0 : i32
        %dma_start3A_184 = tpu.memref_slice %arg5[%add3A_175, %dma_start3A_183] : memref<32768x2048xf32, #tpu.memory_space<hbm>> -> memref<8x2048xf32, #tpu.memory_space<hbm>>
        %dma_start3A_185 = arith.constant 0 : i32
        %dma_start3A_186 = arith.constant 0 : i32
        %dma_start3A_187 = tpu.memref_slice %arg8[%dma_start3A_176, %dma_start3A_185, %dma_start3A_186] : memref<2x8x2048xf32, #tpu.memory_space<vmem>> -> memref<1x8x2048xf32, #tpu.memory_space<vmem>>
        %dma_start3A_188 = tpu.memref_squeeze %dma_start3A_187 : memref<1x8x2048xf32, #tpu.memory_space<vmem>> -> memref<8x2048xf32, #tpu.memory_space<vmem>>
        tpu.enqueue_dma source(%dma_start3A_188 : memref<8x2048xf32, #tpu.memory_space<vmem>>) target(%dma_start3A_184 : memref<8x2048xf32, #tpu.memory_space<hbm>>) target_semaphore(%arg14 : memref<!tpu.dma_semaphore, #tpu.memory_space<semaphore_mem>>)
      } else {
      }
      %add3A_86 = arith.constant 1 : i32
      %add3A_87 = arith.addi %add3A_81, %add3A_86 : i32
      %lt3A_88 = arith.constant 128 : i32
      %lt3A_89 = arith.cmpi slt, %add3A_87, %lt3A_88 : i32
      %convert_element_type3A_90 = arith.extui %lt3A_89 : i1 to i32
      %cond3A_91 = arith.constant 0 : i32
      %cond3A_92 = arith.cmpi ne, %convert_element_type3A_90, %cond3A_91 : i32
      scf.if %cond3A_92 {
        %add3A_149 = arith.constant 4 : i32
        %add3A_150 = arith.addi %add3A_87, %add3A_149 : i32
        %lt3A_151 = arith.constant 128 : i32
        %lt3A_152 = arith.cmpi slt, %add3A_150, %lt3A_151 : i32
        %convert_element_type3A_153 = arith.extui %lt3A_152 : i1 to i32
        %cond3A_154 = arith.constant 0 : i32
        %cond3A_155 = arith.cmpi ne, %convert_element_type3A_153, %cond3A_154 : i32
        scf.if %cond3A_155 {
          %mul3A_189 = arith.constant 8 : i32
          %mul3A_190 = arith.muli %add3A_150, %mul3A_189 : i32
          %dma_start3A_191 = arith.constant 0 : i32
          %dma_start3A_192 = arith.constant 0 : i32
          %dma_start3A_193 = arith.constant 0 : i32
          %dma_start3A_194 = tpu.memref_slice %arg7[%dma_start3A_191, %dma_start3A_192, %dma_start3A_193] : memref<5x8x2048xf32, #tpu.memory_space<vmem>> -> memref<1x8x2048xf32, #tpu.memory_space<vmem>>
          %dma_start3A_195 = tpu.memref_squeeze %dma_start3A_194 : memref<1x8x2048xf32, #tpu.memory_space<vmem>> -> memref<8x2048xf32, #tpu.memory_space<vmem>>
          %dma_start3A_196 = tpu.memref_slice %arg6[%mul3A_190] : memref<1024xi32, #tpu.memory_space<vmem>> -> memref<8xi32, #tpu.memory_space<vmem>>
          %dma_start3A_197 = arith.constant 0 : i32
          %dma_start3A_198 = arith.constant 0 : i32
          %dma_start3A_199 = tpu.memref_slice %arg3[%dma_start3A_197, %dma_start3A_198] : memref<100000x2048xf32, #tpu.memory_space<hbm>> -> memref<100000x2048xf32, #tpu.memory_space<hbm>>
          tpu.enqueue_indirect_dma source(%dma_start3A_199 : memref<100000x2048xf32, #tpu.memory_space<hbm>>) target(%dma_start3A_195 : memref<8x2048xf32, #tpu.memory_space<vmem>>) offsets(%dma_start3A_196 : memref<8xi32, #tpu.memory_space<vmem>>) semaphore(%arg9 : memref<!tpu.dma_semaphore, #tpu.memory_space<semaphore_mem>>)
        } else {
        }
        %mul3A_156 = arith.constant 8 : i32
        %mul3A_157 = arith.muli %add3A_87, %mul3A_156 : i32
        %dma_wait3A_158 = arith.constant 1 : i32
        %dma_wait3A_159 = arith.constant 0 : i32
        %dma_wait3A_160 = arith.constant 0 : i32
        %dma_wait3A_161 = tpu.memref_slice %arg7[%dma_wait3A_158, %dma_wait3A_159, %dma_wait3A_160] : memref<5x8x2048xf32, #tpu.memory_space<vmem>> -> memref<1x8x2048xf32, #tpu.memory_space<vmem>>
        %dma_wait3A_162 = tpu.memref_squeeze %dma_wait3A_161 : memref<1x8x2048xf32, #tpu.memory_space<vmem>> -> memref<8x2048xf32, #tpu.memory_space<vmem>>
        %dma_wait3A_163 = tpu.memref_slice %arg6[%mul3A_157] : memref<1024xi32, #tpu.memory_space<vmem>> -> memref<8xi32, #tpu.memory_space<vmem>>
        %dma_wait3A_164 = arith.constant 0 : i32
        %dma_wait3A_165 = arith.constant 0 : i32
        %dma_wait3A_166 = tpu.memref_slice %arg3[%dma_wait3A_164, %dma_wait3A_165] : memref<100000x2048xf32, #tpu.memory_space<hbm>> -> memref<100000x2048xf32, #tpu.memory_space<hbm>>
        tpu.wait_indirect_dma semaphore(%arg10 : memref<!tpu.dma_semaphore, #tpu.memory_space<semaphore_mem>>) src(%dma_wait3A_166 : memref<100000x2048xf32, #tpu.memory_space<hbm>>) dst(%dma_wait3A_162 : memref<8x2048xf32, #tpu.memory_space<vmem>>)
        %ge3A = arith.constant 2 : i32
        %ge3A_167 = arith.cmpi sge, %add3A_87, %ge3A : i32
        %convert_element_type3A_168 = arith.extui %ge3A_167 : i1 to i32
        %cond3A_169 = arith.constant 0 : i32
        %cond3A_170 = arith.cmpi ne, %convert_element_type3A_168, %cond3A_169 : i32
        scf.if %cond3A_170 {
          %sub3A = arith.constant 2 : i32
          %sub3A_189 = arith.subi %add3A_87, %sub3A : i32
          %mul3A_190 = arith.constant 8 : i32
          %mul3A_191 = arith.muli %sub3A_189, %mul3A_190 : i32
          %add3A_192 = arith.addi %mul3A_4, %mul3A_191 : i32
          %dma_wait3A_193 = arith.constant 1 : i32
          %dma_wait3A_194 = arith.constant 0 : i32
          %dma_wait3A_195 = arith.constant 0 : i32
          %dma_wait3A_196 = tpu.memref_slice %arg8[%dma_wait3A_193, %dma_wait3A_194, %dma_wait3A_195] : memref<2x8x2048xf32, #tpu.memory_space<vmem>> -> memref<1x8x2048xf32, #tpu.memory_space<vmem>>
          %dma_wait3A_197 = tpu.memref_squeeze %dma_wait3A_196 : memref<1x8x2048xf32, #tpu.memory_space<vmem>> -> memref<8x2048xf32, #tpu.memory_space<vmem>>
          %dma_wait3A_198 = arith.constant 0 : i32
          %dma_wait3A_199 = tpu.memref_slice %arg5[%add3A_192, %dma_wait3A_198] : memref<32768x2048xf32, #tpu.memory_space<hbm>> -> memref<8x2048xf32, #tpu.memory_space<hbm>>
          %dma_wait3A_200 = arith.constant 0 : i32
          %dma_wait3A_201 = tpu.memref_slice %arg5[%add3A_192, %dma_wait3A_200] : memref<32768x2048xf32, #tpu.memory_space<hbm>> -> memref<8x2048xf32, #tpu.memory_space<hbm>>
          %dma_wait3A_202 = arith.constant 0 : i32
          %dma_wait3A_203 = arith.constant 0 : i32
          %dma_wait3A_204 = tpu.memref_slice %arg8[%dma_wait3A_193, %dma_wait3A_202, %dma_wait3A_203] : memref<2x8x2048xf32, #tpu.memory_space<vmem>> -> memref<1x8x2048xf32, #tpu.memory_space<vmem>>
          %dma_wait3A_205 = tpu.memref_squeeze %dma_wait3A_204 : memref<1x8x2048xf32, #tpu.memory_space<vmem>> -> memref<8x2048xf32, #tpu.memory_space<vmem>>
          tpu.wait_dma2 semaphore(%arg15 : memref<!tpu.dma_semaphore, #tpu.memory_space<semaphore_mem>>) src(%dma_wait3A_205 : memref<8x2048xf32, #tpu.memory_space<vmem>>) dst(%dma_wait3A_201 : memref<8x2048xf32, #tpu.memory_space<hbm>>)
        } else {
        }
        %parallel_loop3A = arith.constant 0 : i32
        %parallel_loop3A_171 = arith.constant 1024 : i32
        %parallel_loop3A_172 = arith.constant 1 : i32
        scf.for %parallel_loop3A_189 = %parallel_loop3A to %parallel_loop3A_171 step %parallel_loop3A_172  : i32 {
          %parallel_loop3A_190 = arith.constant 7 : i32
          %parallel_loop3A_191 = arith.shrsi %parallel_loop3A_189, %parallel_loop3A_190 : i32
          %parallel_loop3A_192 = arith.constant 127 : i32
          %parallel_loop3A_193 = arith.andi %parallel_loop3A_189, %parallel_loop3A_192 : i32
          %parallel_loop3A_194 = arith.constant 16 : i32
          %parallel_loop3A_195 = arith.muli %parallel_loop3A_193, %parallel_loop3A_194 : i32
          %parallel_loop3A_196 = arith.constant 1 : i32
          %parallel_loop3A_197 = arith.index_cast %parallel_loop3A_196 : i32 to index
          %parallel_loop3A_198 = arith.index_cast %parallel_loop3A_191 : i32 to index
          %parallel_loop3A_199 = arith.index_cast %parallel_loop3A_195 : i32 to index
          %parallel_loop3A_200 = tpu.vector_load %arg7[%parallel_loop3A_197, %parallel_loop3A_198, %parallel_loop3A_199] {strides = array<i32>} : memref<5x8x2048xf32, #tpu.memory_space<vmem>>, vector<1x1x16xf32>,
          %parallel_loop3A_201 = vector.shape_cast %parallel_loop3A_200 : vector<1x1x16xf32> to vector<16xf32>
          %parallel_loop3A_202 = vector.broadcast %squeeze3A : f32 to vector<16xf32>
          %parallel_loop3A_203 = arith.mulf %parallel_loop3A_201, %parallel_loop3A_202 : vector<16xf32>
          %parallel_loop3A_204 = arith.constant 1 : i32
          %parallel_loop3A_205 = arith.index_cast %parallel_loop3A_204 : i32 to index
          %parallel_loop3A_206 = arith.index_cast %parallel_loop3A_191 : i32 to index
          %parallel_loop3A_207 = arith.index_cast %parallel_loop3A_195 : i32 to index
          %parallel_loop3A_208 = tpu.vector_load %arg8[%parallel_loop3A_205, %parallel_loop3A_206, %parallel_loop3A_207] {strides = array<i32>} : memref<2x8x2048xf32, #tpu.memory_space<vmem>>, vector<1x1x16xf32>,
          %parallel_loop3A_209 = vector.shape_cast %parallel_loop3A_208 : vector<1x1x16xf32> to vector<16xf32>
          %parallel_loop3A_210 = vector.shape_cast %parallel_loop3A_203 : vector<16xf32> to vector<1x1x16xf32>
          tpu.vector_store %arg8[%parallel_loop3A_205, %parallel_loop3A_206, %parallel_loop3A_207], %parallel_loop3A_210 {strides = array<i32>} : memref<2x8x2048xf32, #tpu.memory_space<vmem>>, vector<1x1x16xf32>,
        } {sc.loop_unroll_factor = 8 : i64, sc.parallel_access}
        %mul3A_173 = arith.constant 8 : i32
        %mul3A_174 = arith.muli %add3A_87, %mul3A_173 : i32
        %add3A_175 = arith.addi %mul3A_4, %mul3A_174 : i32
        %dma_start3A_176 = arith.constant 1 : i32
        %dma_start3A_177 = arith.constant 0 : i32
        %dma_start3A_178 = arith.constant 0 : i32
        %dma_start3A_179 = tpu.memref_slice %arg8[%dma_start3A_176, %dma_start3A_177, %dma_start3A_178] : memref<2x8x2048xf32, #tpu.memory_space<vmem>> -> memref<1x8x2048xf32, #tpu.memory_space<vmem>>
        %dma_start3A_180 = tpu.memref_squeeze %dma_start3A_179 : memref<1x8x2048xf32, #tpu.memory_space<vmem>> -> memref<8x2048xf32, #tpu.memory_space<vmem>>
        %dma_start3A_181 = arith.constant 0 : i32
        %dma_start3A_182 = tpu.memref_slice %arg5[%add3A_175, %dma_start3A_181] : memref<32768x2048xf32, #tpu.memory_space<hbm>> -> memref<8x2048xf32, #tpu.memory_space<hbm>>
        %dma_start3A_183 = arith.constant 0 : i32
        %dma_start3A_184 = tpu.memref_slice %arg5[%add3A_175, %dma_start3A_183] : memref<32768x2048xf32, #tpu.memory_space<hbm>> -> memref<8x2048xf32, #tpu.memory_space<hbm>>
        %dma_start3A_185 = arith.constant 0 : i32
        %dma_start3A_186 = arith.constant 0 : i32
        %dma_start3A_187 = tpu.memref_slice %arg8[%dma_start3A_176, %dma_start3A_185, %dma_start3A_186] : memref<2x8x2048xf32, #tpu.memory_space<vmem>> -> memref<1x8x2048xf32, #tpu.memory_space<vmem>>
        %dma_start3A_188 = tpu.memref_squeeze %dma_start3A_187 : memref<1x8x2048xf32, #tpu.memory_space<vmem>> -> memref<8x2048xf32, #tpu.memory_space<vmem>>
        tpu.enqueue_dma source(%dma_start3A_188 : memref<8x2048xf32, #tpu.memory_space<vmem>>) target(%dma_start3A_184 : memref<8x2048xf32, #tpu.memory_space<hbm>>) target_semaphore(%arg15 : memref<!tpu.dma_semaphore, #tpu.memory_space<semaphore_mem>>)
      } else {
      }
      %add3A_93 = arith.constant 2 : i32
      %add3A_94 = arith.addi %add3A_81, %add3A_93 : i32
      %lt3A_95 = arith.constant 128 : i32
      %lt3A_96 = arith.cmpi slt, %add3A_94, %lt3A_95 : i32
      %convert_element_type3A_97 = arith.extui %lt3A_96 : i1 to i32
      %cond3A_98 = arith.constant 0 : i32
      %cond3A_99 = arith.cmpi ne, %convert_element_type3A_97, %cond3A_98 : i32
      scf.if %cond3A_99 {
        %add3A_149 = arith.constant 4 : i32
        %add3A_150 = arith.addi %add3A_94, %add3A_149 : i32
        %lt3A_151 = arith.constant 128 : i32
        %lt3A_152 = arith.cmpi slt, %add3A_150, %lt3A_151 : i32
        %convert_element_type3A_153 = arith.extui %lt3A_152 : i1 to i32
        %cond3A_154 = arith.constant 0 : i32
        %cond3A_155 = arith.cmpi ne, %convert_element_type3A_153, %cond3A_154 : i32
        scf.if %cond3A_155 {
          %mul3A_189 = arith.constant 8 : i32
          %mul3A_190 = arith.muli %add3A_150, %mul3A_189 : i32
          %dma_start3A_191 = arith.constant 1 : i32
          %dma_start3A_192 = arith.constant 0 : i32
          %dma_start3A_193 = arith.constant 0 : i32
          %dma_start3A_194 = tpu.memref_slice %arg7[%dma_start3A_191, %dma_start3A_192, %dma_start3A_193] : memref<5x8x2048xf32, #tpu.memory_space<vmem>> -> memref<1x8x2048xf32, #tpu.memory_space<vmem>>
          %dma_start3A_195 = tpu.memref_squeeze %dma_start3A_194 : memref<1x8x2048xf32, #tpu.memory_space<vmem>> -> memref<8x2048xf32, #tpu.memory_space<vmem>>
          %dma_start3A_196 = tpu.memref_slice %arg6[%mul3A_190] : memref<1024xi32, #tpu.memory_space<vmem>> -> memref<8xi32, #tpu.memory_space<vmem>>
          %dma_start3A_197 = arith.constant 0 : i32
          %dma_start3A_198 = arith.constant 0 : i32
          %dma_start3A_199 = tpu.memref_slice %arg3[%dma_start3A_197, %dma_start3A_198] : memref<100000x2048xf32, #tpu.memory_space<hbm>> -> memref<100000x2048xf32, #tpu.memory_space<hbm>>
          tpu.enqueue_indirect_dma source(%dma_start3A_199 : memref<100000x2048xf32, #tpu.memory_space<hbm>>) target(%dma_start3A_195 : memref<8x2048xf32, #tpu.memory_space<vmem>>) offsets(%dma_start3A_196 : memref<8xi32, #tpu.memory_space<vmem>>) semaphore(%arg10 : memref<!tpu.dma_semaphore, #tpu.memory_space<semaphore_mem>>)
        } else {
        }
        %mul3A_156 = arith.constant 8 : i32
        %mul3A_157 = arith.muli %add3A_94, %mul3A_156 : i32
        %dma_wait3A_158 = arith.constant 2 : i32
        %dma_wait3A_159 = arith.constant 0 : i32
        %dma_wait3A_160 = arith.constant 0 : i32
        %dma_wait3A_161 = tpu.memref_slice %arg7[%dma_wait3A_158, %dma_wait3A_159, %dma_wait3A_160] : memref<5x8x2048xf32, #tpu.memory_space<vmem>> -> memref<1x8x2048xf32, #tpu.memory_space<vmem>>
        %dma_wait3A_162 = tpu.memref_squeeze %dma_wait3A_161 : memref<1x8x2048xf32, #tpu.memory_space<vmem>> -> memref<8x2048xf32, #tpu.memory_space<vmem>>
        %dma_wait3A_163 = tpu.memref_slice %arg6[%mul3A_157] : memref<1024xi32, #tpu.memory_space<vmem>> -> memref<8xi32, #tpu.memory_space<vmem>>
        %dma_wait3A_164 = arith.constant 0 : i32
        %dma_wait3A_165 = arith.constant 0 : i32
        %dma_wait3A_166 = tpu.memref_slice %arg3[%dma_wait3A_164, %dma_wait3A_165] : memref<100000x2048xf32, #tpu.memory_space<hbm>> -> memref<100000x2048xf32, #tpu.memory_space<hbm>>
        tpu.wait_indirect_dma semaphore(%arg11 : memref<!tpu.dma_semaphore, #tpu.memory_space<semaphore_mem>>) src(%dma_wait3A_166 : memref<100000x2048xf32, #tpu.memory_space<hbm>>) dst(%dma_wait3A_162 : memref<8x2048xf32, #tpu.memory_space<vmem>>)
        %ge3A = arith.constant 2 : i32
        %ge3A_167 = arith.cmpi sge, %add3A_94, %ge3A : i32
        %convert_element_type3A_168 = arith.extui %ge3A_167 : i1 to i32
        %cond3A_169 = arith.constant 0 : i32
        %cond3A_170 = arith.cmpi ne, %convert_element_type3A_168, %cond3A_169 : i32
        scf.if %cond3A_170 {
          %sub3A = arith.constant 2 : i32
          %sub3A_189 = arith.subi %add3A_94, %sub3A : i32
          %mul3A_190 = arith.constant 8 : i32
          %mul3A_191 = arith.muli %sub3A_189, %mul3A_190 : i32
          %add3A_192 = arith.addi %mul3A_4, %mul3A_191 : i32
          %dma_wait3A_193 = arith.constant 0 : i32
          %dma_wait3A_194 = arith.constant 0 : i32
          %dma_wait3A_195 = arith.constant 0 : i32
          %dma_wait3A_196 = tpu.memref_slice %arg8[%dma_wait3A_193, %dma_wait3A_194, %dma_wait3A_195] : memref<2x8x2048xf32, #tpu.memory_space<vmem>> -> memref<1x8x2048xf32, #tpu.memory_space<vmem>>
          %dma_wait3A_197 = tpu.memref_squeeze %dma_wait3A_196 : memref<1x8x2048xf32, #tpu.memory_space<vmem>> -> memref<8x2048xf32, #tpu.memory_space<vmem>>
          %dma_wait3A_198 = arith.constant 0 : i32
          %dma_wait3A_199 = tpu.memref_slice %arg5[%add3A_192, %dma_wait3A_198] : memref<32768x2048xf32, #tpu.memory_space<hbm>> -> memref<8x2048xf32, #tpu.memory_space<hbm>>
          %dma_wait3A_200 = arith.constant 0 : i32
          %dma_wait3A_201 = tpu.memref_slice %arg5[%add3A_192, %dma_wait3A_200] : memref<32768x2048xf32, #tpu.memory_space<hbm>> -> memref<8x2048xf32, #tpu.memory_space<hbm>>
          %dma_wait3A_202 = arith.constant 0 : i32
          %dma_wait3A_203 = arith.constant 0 : i32
          %dma_wait3A_204 = tpu.memref_slice %arg8[%dma_wait3A_193, %dma_wait3A_202, %dma_wait3A_203] : memref<2x8x2048xf32, #tpu.memory_space<vmem>> -> memref<1x8x2048xf32, #tpu.memory_space<vmem>>
          %dma_wait3A_205 = tpu.memref_squeeze %dma_wait3A_204 : memref<1x8x2048xf32, #tpu.memory_space<vmem>> -> memref<8x2048xf32, #tpu.memory_space<vmem>>
          tpu.wait_dma2 semaphore(%arg14 : memref<!tpu.dma_semaphore, #tpu.memory_space<semaphore_mem>>) src(%dma_wait3A_205 : memref<8x2048xf32, #tpu.memory_space<vmem>>) dst(%dma_wait3A_201 : memref<8x2048xf32, #tpu.memory_space<hbm>>)
        } else {
        }
        %parallel_loop3A = arith.constant 0 : i32
        %parallel_loop3A_171 = arith.constant 1024 : i32
        %parallel_loop3A_172 = arith.constant 1 : i32
        scf.for %parallel_loop3A_189 = %parallel_loop3A to %parallel_loop3A_171 step %parallel_loop3A_172  : i32 {
          %parallel_loop3A_190 = arith.constant 7 : i32
          %parallel_loop3A_191 = arith.shrsi %parallel_loop3A_189, %parallel_loop3A_190 : i32
          %parallel_loop3A_192 = arith.constant 127 : i32
          %parallel_loop3A_193 = arith.andi %parallel_loop3A_189, %parallel_loop3A_192 : i32
          %parallel_loop3A_194 = arith.constant 16 : i32
          %parallel_loop3A_195 = arith.muli %parallel_loop3A_193, %parallel_loop3A_194 : i32
          %parallel_loop3A_196 = arith.constant 2 : i32
          %parallel_loop3A_197 = arith.index_cast %parallel_loop3A_196 : i32 to index
          %parallel_loop3A_198 = arith.index_cast %parallel_loop3A_191 : i32 to index
          %parallel_loop3A_199 = arith.index_cast %parallel_loop3A_195 : i32 to index
          %parallel_loop3A_200 = tpu.vector_load %arg7[%parallel_loop3A_197, %parallel_loop3A_198, %parallel_loop3A_199] {strides = array<i32>} : memref<5x8x2048xf32, #tpu.memory_space<vmem>>, vector<1x1x16xf32>,
          %parallel_loop3A_201 = vector.shape_cast %parallel_loop3A_200 : vector<1x1x16xf32> to vector<16xf32>
          %parallel_loop3A_202 = vector.broadcast %squeeze3A : f32 to vector<16xf32>
          %parallel_loop3A_203 = arith.mulf %parallel_loop3A_201, %parallel_loop3A_202 : vector<16xf32>
          %parallel_loop3A_204 = arith.constant 0 : i32
          %parallel_loop3A_205 = arith.index_cast %parallel_loop3A_204 : i32 to index
          %parallel_loop3A_206 = arith.index_cast %parallel_loop3A_191 : i32 to index
          %parallel_loop3A_207 = arith.index_cast %parallel_loop3A_195 : i32 to index
          %parallel_loop3A_208 = tpu.vector_load %arg8[%parallel_loop3A_205, %parallel_loop3A_206, %parallel_loop3A_207] {strides = array<i32>} : memref<2x8x2048xf32, #tpu.memory_space<vmem>>, vector<1x1x16xf32>,
          %parallel_loop3A_209 = vector.shape_cast %parallel_loop3A_208 : vector<1x1x16xf32> to vector<16xf32>
          %parallel_loop3A_210 = vector.shape_cast %parallel_loop3A_203 : vector<16xf32> to vector<1x1x16xf32>
          tpu.vector_store %arg8[%parallel_loop3A_205, %parallel_loop3A_206, %parallel_loop3A_207], %parallel_loop3A_210 {strides = array<i32>} : memref<2x8x2048xf32, #tpu.memory_space<vmem>>, vector<1x1x16xf32>,
        } {sc.loop_unroll_factor = 8 : i64, sc.parallel_access}
        %mul3A_173 = arith.constant 8 : i32
        %mul3A_174 = arith.muli %add3A_94, %mul3A_173 : i32
        %add3A_175 = arith.addi %mul3A_4, %mul3A_174 : i32
        %dma_start3A_176 = arith.constant 0 : i32
        %dma_start3A_177 = arith.constant 0 : i32
        %dma_start3A_178 = arith.constant 0 : i32
        %dma_start3A_179 = tpu.memref_slice %arg8[%dma_start3A_176, %dma_start3A_177, %dma_start3A_178] : memref<2x8x2048xf32, #tpu.memory_space<vmem>> -> memref<1x8x2048xf32, #tpu.memory_space<vmem>>
        %dma_start3A_180 = tpu.memref_squeeze %dma_start3A_179 : memref<1x8x2048xf32, #tpu.memory_space<vmem>> -> memref<8x2048xf32, #tpu.memory_space<vmem>>
        %dma_start3A_181 = arith.constant 0 : i32
        %dma_start3A_182 = tpu.memref_slice %arg5[%add3A_175, %dma_start3A_181] : memref<32768x2048xf32, #tpu.memory_space<hbm>> -> memref<8x2048xf32, #tpu.memory_space<hbm>>
        %dma_start3A_183 = arith.constant 0 : i32
        %dma_start3A_184 = tpu.memref_slice %arg5[%add3A_175, %dma_start3A_183] : memref<32768x2048xf32, #tpu.memory_space<hbm>> -> memref<8x2048xf32, #tpu.memory_space<hbm>>
        %dma_start3A_185 = arith.constant 0 : i32
        %dma_start3A_186 = arith.constant 0 : i32
        %dma_start3A_187 = tpu.memref_slice %arg8[%dma_start3A_176, %dma_start3A_185, %dma_start3A_186] : memref<2x8x2048xf32, #tpu.memory_space<vmem>> -> memref<1x8x2048xf32, #tpu.memory_space<vmem>>
        %dma_start3A_188 = tpu.memref_squeeze %dma_start3A_187 : memref<1x8x2048xf32, #tpu.memory_space<vmem>> -> memref<8x2048xf32, #tpu.memory_space<vmem>>
        tpu.enqueue_dma source(%dma_start3A_188 : memref<8x2048xf32, #tpu.memory_space<vmem>>) target(%dma_start3A_184 : memref<8x2048xf32, #tpu.memory_space<hbm>>) target_semaphore(%arg14 : memref<!tpu.dma_semaphore, #tpu.memory_space<semaphore_mem>>)
      } else {
      }
      %add3A_100 = arith.constant 3 : i32
      %add3A_101 = arith.addi %add3A_81, %add3A_100 : i32
      %lt3A_102 = arith.constant 128 : i32
      %lt3A_103 = arith.cmpi slt, %add3A_101, %lt3A_102 : i32
      %convert_element_type3A_104 = arith.extui %lt3A_103 : i1 to i32
      %cond3A_105 = arith.constant 0 : i32
      %cond3A_106 = arith.cmpi ne, %convert_element_type3A_104, %cond3A_105 : i32
      scf.if %cond3A_106 {
        %add3A_149 = arith.constant 4 : i32
        %add3A_150 = arith.addi %add3A_101, %add3A_149 : i32
        %lt3A_151 = arith.constant 128 : i32
        %lt3A_152 = arith.cmpi slt, %add3A_150, %lt3A_151 : i32
        %convert_element_type3A_153 = arith.extui %lt3A_152 : i1 to i32
        %cond3A_154 = arith.constant 0 : i32
        %cond3A_155 = arith.cmpi ne, %convert_element_type3A_153, %cond3A_154 : i32
        scf.if %cond3A_155 {
          %mul3A_189 = arith.constant 8 : i32
          %mul3A_190 = arith.muli %add3A_150, %mul3A_189 : i32
          %dma_start3A_191 = arith.constant 2 : i32
          %dma_start3A_192 = arith.constant 0 : i32
          %dma_start3A_193 = arith.constant 0 : i32
          %dma_start3A_194 = tpu.memref_slice %arg7[%dma_start3A_191, %dma_start3A_192, %dma_start3A_193] : memref<5x8x2048xf32, #tpu.memory_space<vmem>> -> memref<1x8x2048xf32, #tpu.memory_space<vmem>>
          %dma_start3A_195 = tpu.memref_squeeze %dma_start3A_194 : memref<1x8x2048xf32, #tpu.memory_space<vmem>> -> memref<8x2048xf32, #tpu.memory_space<vmem>>
          %dma_start3A_196 = tpu.memref_slice %arg6[%mul3A_190] : memref<1024xi32, #tpu.memory_space<vmem>> -> memref<8xi32, #tpu.memory_space<vmem>>
          %dma_start3A_197 = arith.constant 0 : i32
          %dma_start3A_198 = arith.constant 0 : i32
          %dma_start3A_199 = tpu.memref_slice %arg3[%dma_start3A_197, %dma_start3A_198] : memref<100000x2048xf32, #tpu.memory_space<hbm>> -> memref<100000x2048xf32, #tpu.memory_space<hbm>>
          tpu.enqueue_indirect_dma source(%dma_start3A_199 : memref<100000x2048xf32, #tpu.memory_space<hbm>>) target(%dma_start3A_195 : memref<8x2048xf32, #tpu.memory_space<vmem>>) offsets(%dma_start3A_196 : memref<8xi32, #tpu.memory_space<vmem>>) semaphore(%arg11 : memref<!tpu.dma_semaphore, #tpu.memory_space<semaphore_mem>>)
        } else {
        }
        %mul3A_156 = arith.constant 8 : i32
        %mul3A_157 = arith.muli %add3A_101, %mul3A_156 : i32
        %dma_wait3A_158 = arith.constant 3 : i32
        %dma_wait3A_159 = arith.constant 0 : i32
        %dma_wait3A_160 = arith.constant 0 : i32
        %dma_wait3A_161 = tpu.memref_slice %arg7[%dma_wait3A_158, %dma_wait3A_159, %dma_wait3A_160] : memref<5x8x2048xf32, #tpu.memory_space<vmem>> -> memref<1x8x2048xf32, #tpu.memory_space<vmem>>
        %dma_wait3A_162 = tpu.memref_squeeze %dma_wait3A_161 : memref<1x8x2048xf32, #tpu.memory_space<vmem>> -> memref<8x2048xf32, #tpu.memory_space<vmem>>
        %dma_wait3A_163 = tpu.memref_slice %arg6[%mul3A_157] : memref<1024xi32, #tpu.memory_space<vmem>> -> memref<8xi32, #tpu.memory_space<vmem>>
        %dma_wait3A_164 = arith.constant 0 : i32
        %dma_wait3A_165 = arith.constant 0 : i32
        %dma_wait3A_166 = tpu.memref_slice %arg3[%dma_wait3A_164, %dma_wait3A_165] : memref<100000x2048xf32, #tpu.memory_space<hbm>> -> memref<100000x2048xf32, #tpu.memory_space<hbm>>
        tpu.wait_indirect_dma semaphore(%arg12 : memref<!tpu.dma_semaphore, #tpu.memory_space<semaphore_mem>>) src(%dma_wait3A_166 : memref<100000x2048xf32, #tpu.memory_space<hbm>>) dst(%dma_wait3A_162 : memref<8x2048xf32, #tpu.memory_space<vmem>>)
        %ge3A = arith.constant 2 : i32
        %ge3A_167 = arith.cmpi sge, %add3A_101, %ge3A : i32
        %convert_element_type3A_168 = arith.extui %ge3A_167 : i1 to i32
        %cond3A_169 = arith.constant 0 : i32
        %cond3A_170 = arith.cmpi ne, %convert_element_type3A_168, %cond3A_169 : i32
        scf.if %cond3A_170 {
          %sub3A = arith.constant 2 : i32
          %sub3A_189 = arith.subi %add3A_101, %sub3A : i32
          %mul3A_190 = arith.constant 8 : i32
          %mul3A_191 = arith.muli %sub3A_189, %mul3A_190 : i32
          %add3A_192 = arith.addi %mul3A_4, %mul3A_191 : i32
          %dma_wait3A_193 = arith.constant 1 : i32
          %dma_wait3A_194 = arith.constant 0 : i32
          %dma_wait3A_195 = arith.constant 0 : i32
          %dma_wait3A_196 = tpu.memref_slice %arg8[%dma_wait3A_193, %dma_wait3A_194, %dma_wait3A_195] : memref<2x8x2048xf32, #tpu.memory_space<vmem>> -> memref<1x8x2048xf32, #tpu.memory_space<vmem>>
          %dma_wait3A_197 = tpu.memref_squeeze %dma_wait3A_196 : memref<1x8x2048xf32, #tpu.memory_space<vmem>> -> memref<8x2048xf32, #tpu.memory_space<vmem>>
          %dma_wait3A_198 = arith.constant 0 : i32
          %dma_wait3A_199 = tpu.memref_slice %arg5[%add3A_192, %dma_wait3A_198] : memref<32768x2048xf32, #tpu.memory_space<hbm>> -> memref<8x2048xf32, #tpu.memory_space<hbm>>
          %dma_wait3A_200 = arith.constant 0 : i32
          %dma_wait3A_201 = tpu.memref_slice %arg5[%add3A_192, %dma_wait3A_200] : memref<32768x2048xf32, #tpu.memory_space<hbm>> -> memref<8x2048xf32, #tpu.memory_space<hbm>>
          %dma_wait3A_202 = arith.constant 0 : i32
          %dma_wait3A_203 = arith.constant 0 : i32
          %dma_wait3A_204 = tpu.memref_slice %arg8[%dma_wait3A_193, %dma_wait3A_202, %dma_wait3A_203] : memref<2x8x2048xf32, #tpu.memory_space<vmem>> -> memref<1x8x2048xf32, #tpu.memory_space<vmem>>
          %dma_wait3A_205 = tpu.memref_squeeze %dma_wait3A_204 : memref<1x8x2048xf32, #tpu.memory_space<vmem>> -> memref<8x2048xf32, #tpu.memory_space<vmem>>
          tpu.wait_dma2 semaphore(%arg15 : memref<!tpu.dma_semaphore, #tpu.memory_space<semaphore_mem>>) src(%dma_wait3A_205 : memref<8x2048xf32, #tpu.memory_space<vmem>>) dst(%dma_wait3A_201 : memref<8x2048xf32, #tpu.memory_space<hbm>>)
        } else {
        }
        %parallel_loop3A = arith.constant 0 : i32
        %parallel_loop3A_171 = arith.constant 1024 : i32
        %parallel_loop3A_172 = arith.constant 1 : i32
        scf.for %parallel_loop3A_189 = %parallel_loop3A to %parallel_loop3A_171 step %parallel_loop3A_172  : i32 {
          %parallel_loop3A_190 = arith.constant 7 : i32
          %parallel_loop3A_191 = arith.shrsi %parallel_loop3A_189, %parallel_loop3A_190 : i32
          %parallel_loop3A_192 = arith.constant 127 : i32
          %parallel_loop3A_193 = arith.andi %parallel_loop3A_189, %parallel_loop3A_192 : i32
          %parallel_loop3A_194 = arith.constant 16 : i32
          %parallel_loop3A_195 = arith.muli %parallel_loop3A_193, %parallel_loop3A_194 : i32
          %parallel_loop3A_196 = arith.constant 3 : i32
          %parallel_loop3A_197 = arith.index_cast %parallel_loop3A_196 : i32 to index
          %parallel_loop3A_198 = arith.index_cast %parallel_loop3A_191 : i32 to index
          %parallel_loop3A_199 = arith.index_cast %parallel_loop3A_195 : i32 to index
          %parallel_loop3A_200 = tpu.vector_load %arg7[%parallel_loop3A_197, %parallel_loop3A_198, %parallel_loop3A_199] {strides = array<i32>} : memref<5x8x2048xf32, #tpu.memory_space<vmem>>, vector<1x1x16xf32>,
          %parallel_loop3A_201 = vector.shape_cast %parallel_loop3A_200 : vector<1x1x16xf32> to vector<16xf32>
          %parallel_loop3A_202 = vector.broadcast %squeeze3A : f32 to vector<16xf32>
          %parallel_loop3A_203 = arith.mulf %parallel_loop3A_201, %parallel_loop3A_202 : vector<16xf32>
          %parallel_loop3A_204 = arith.constant 1 : i32
          %parallel_loop3A_205 = arith.index_cast %parallel_loop3A_204 : i32 to index
          %parallel_loop3A_206 = arith.index_cast %parallel_loop3A_191 : i32 to index
          %parallel_loop3A_207 = arith.index_cast %parallel_loop3A_195 : i32 to index
          %parallel_loop3A_208 = tpu.vector_load %arg8[%parallel_loop3A_205, %parallel_loop3A_206, %parallel_loop3A_207] {strides = array<i32>} : memref<2x8x2048xf32, #tpu.memory_space<vmem>>, vector<1x1x16xf32>,
          %parallel_loop3A_209 = vector.shape_cast %parallel_loop3A_208 : vector<1x1x16xf32> to vector<16xf32>
          %parallel_loop3A_210 = vector.shape_cast %parallel_loop3A_203 : vector<16xf32> to vector<1x1x16xf32>
          tpu.vector_store %arg8[%parallel_loop3A_205, %parallel_loop3A_206, %parallel_loop3A_207], %parallel_loop3A_210 {strides = array<i32>} : memref<2x8x2048xf32, #tpu.memory_space<vmem>>, vector<1x1x16xf32>,
        } {sc.loop_unroll_factor = 8 : i64, sc.parallel_access}
        %mul3A_173 = arith.constant 8 : i32
        %mul3A_174 = arith.muli %add3A_101, %mul3A_173 : i32
        %add3A_175 = arith.addi %mul3A_4, %mul3A_174 : i32
        %dma_start3A_176 = arith.constant 1 : i32
        %dma_start3A_177 = arith.constant 0 : i32
        %dma_start3A_178 = arith.constant 0 : i32
        %dma_start3A_179 = tpu.memref_slice %arg8[%dma_start3A_176, %dma_start3A_177, %dma_start3A_178] : memref<2x8x2048xf32, #tpu.memory_space<vmem>> -> memref<1x8x2048xf32, #tpu.memory_space<vmem>>
        %dma_start3A_180 = tpu.memref_squeeze %dma_start3A_179 : memref<1x8x2048xf32, #tpu.memory_space<vmem>> -> memref<8x2048xf32, #tpu.memory_space<vmem>>
        %dma_start3A_181 = arith.constant 0 : i32
        %dma_start3A_182 = tpu.memref_slice %arg5[%add3A_175, %dma_start3A_181] : memref<32768x2048xf32, #tpu.memory_space<hbm>> -> memref<8x2048xf32, #tpu.memory_space<hbm>>
        %dma_start3A_183 = arith.constant 0 : i32
        %dma_start3A_184 = tpu.memref_slice %arg5[%add3A_175, %dma_start3A_183] : memref<32768x2048xf32, #tpu.memory_space<hbm>> -> memref<8x2048xf32, #tpu.memory_space<hbm>>
        %dma_start3A_185 = arith.constant 0 : i32
        %dma_start3A_186 = arith.constant 0 : i32
        %dma_start3A_187 = tpu.memref_slice %arg8[%dma_start3A_176, %dma_start3A_185, %dma_start3A_186] : memref<2x8x2048xf32, #tpu.memory_space<vmem>> -> memref<1x8x2048xf32, #tpu.memory_space<vmem>>
        %dma_start3A_188 = tpu.memref_squeeze %dma_start3A_187 : memref<1x8x2048xf32, #tpu.memory_space<vmem>> -> memref<8x2048xf32, #tpu.memory_space<vmem>>
        tpu.enqueue_dma source(%dma_start3A_188 : memref<8x2048xf32, #tpu.memory_space<vmem>>) target(%dma_start3A_184 : memref<8x2048xf32, #tpu.memory_space<hbm>>) target_semaphore(%arg15 : memref<!tpu.dma_semaphore, #tpu.memory_space<semaphore_mem>>)
      } else {
      }
      %add3A_107 = arith.constant 4 : i32
      %add3A_108 = arith.addi %add3A_81, %add3A_107 : i32
      %lt3A_109 = arith.constant 128 : i32
      %lt3A_110 = arith.cmpi slt, %add3A_108, %lt3A_109 : i32
      %convert_element_type3A_111 = arith.extui %lt3A_110 : i1 to i32
      %cond3A_112 = arith.constant 0 : i32
      %cond3A_113 = arith.cmpi ne, %convert_element_type3A_111, %cond3A_112 : i32
      scf.if %cond3A_113 {
        %add3A_149 = arith.constant 4 : i32
        %add3A_150 = arith.addi %add3A_108, %add3A_149 : i32
        %lt3A_151 = arith.constant 128 : i32
        %lt3A_152 = arith.cmpi slt, %add3A_150, %lt3A_151 : i32
        %convert_element_type3A_153 = arith.extui %lt3A_152 : i1 to i32
        %cond3A_154 = arith.constant 0 : i32
        %cond3A_155 = arith.cmpi ne, %convert_element_type3A_153, %cond3A_154 : i32
        scf.if %cond3A_155 {
          %mul3A_189 = arith.constant 8 : i32
          %mul3A_190 = arith.muli %add3A_150, %mul3A_189 : i32
          %dma_start3A_191 = arith.constant 3 : i32
          %dma_start3A_192 = arith.constant 0 : i32
          %dma_start3A_193 = arith.constant 0 : i32
          %dma_start3A_194 = tpu.memref_slice %arg7[%dma_start3A_191, %dma_start3A_192, %dma_start3A_193] : memref<5x8x2048xf32, #tpu.memory_space<vmem>> -> memref<1x8x2048xf32, #tpu.memory_space<vmem>>
          %dma_start3A_195 = tpu.memref_squeeze %dma_start3A_194 : memref<1x8x2048xf32, #tpu.memory_space<vmem>> -> memref<8x2048xf32, #tpu.memory_space<vmem>>
          %dma_start3A_196 = tpu.memref_slice %arg6[%mul3A_190] : memref<1024xi32, #tpu.memory_space<vmem>> -> memref<8xi32, #tpu.memory_space<vmem>>
          %dma_start3A_197 = arith.constant 0 : i32
          %dma_start3A_198 = arith.constant 0 : i32
          %dma_start3A_199 = tpu.memref_slice %arg3[%dma_start3A_197, %dma_start3A_198] : memref<100000x2048xf32, #tpu.memory_space<hbm>> -> memref<100000x2048xf32, #tpu.memory_space<hbm>>
          tpu.enqueue_indirect_dma source(%dma_start3A_199 : memref<100000x2048xf32, #tpu.memory_space<hbm>>) target(%dma_start3A_195 : memref<8x2048xf32, #tpu.memory_space<vmem>>) offsets(%dma_start3A_196 : memref<8xi32, #tpu.memory_space<vmem>>) semaphore(%arg12 : memref<!tpu.dma_semaphore, #tpu.memory_space<semaphore_mem>>)
        } else {
        }
        %mul3A_156 = arith.constant 8 : i32
        %mul3A_157 = arith.muli %add3A_108, %mul3A_156 : i32
        %dma_wait3A_158 = arith.constant 4 : i32
        %dma_wait3A_159 = arith.constant 0 : i32
        %dma_wait3A_160 = arith.constant 0 : i32
        %dma_wait3A_161 = tpu.memref_slice %arg7[%dma_wait3A_158, %dma_wait3A_159, %dma_wait3A_160] : memref<5x8x2048xf32, #tpu.memory_space<vmem>> -> memref<1x8x2048xf32, #tpu.memory_space<vmem>>
        %dma_wait3A_162 = tpu.memref_squeeze %dma_wait3A_161 : memref<1x8x2048xf32, #tpu.memory_space<vmem>> -> memref<8x2048xf32, #tpu.memory_space<vmem>>
        %dma_wait3A_163 = tpu.memref_slice %arg6[%mul3A_157] : memref<1024xi32, #tpu.memory_space<vmem>> -> memref<8xi32, #tpu.memory_space<vmem>>
        %dma_wait3A_164 = arith.constant 0 : i32
        %dma_wait3A_165 = arith.constant 0 : i32
        %dma_wait3A_166 = tpu.memref_slice %arg3[%dma_wait3A_164, %dma_wait3A_165] : memref<100000x2048xf32, #tpu.memory_space<hbm>> -> memref<100000x2048xf32, #tpu.memory_space<hbm>>
        tpu.wait_indirect_dma semaphore(%arg13 : memref<!tpu.dma_semaphore, #tpu.memory_space<semaphore_mem>>) src(%dma_wait3A_166 : memref<100000x2048xf32, #tpu.memory_space<hbm>>) dst(%dma_wait3A_162 : memref<8x2048xf32, #tpu.memory_space<vmem>>)
        %ge3A = arith.constant 2 : i32
        %ge3A_167 = arith.cmpi sge, %add3A_108, %ge3A : i32
        %convert_element_type3A_168 = arith.extui %ge3A_167 : i1 to i32
        %cond3A_169 = arith.constant 0 : i32
        %cond3A_170 = arith.cmpi ne, %convert_element_type3A_168, %cond3A_169 : i32
        scf.if %cond3A_170 {
          %sub3A = arith.constant 2 : i32
          %sub3A_189 = arith.subi %add3A_108, %sub3A : i32
          %mul3A_190 = arith.constant 8 : i32
          %mul3A_191 = arith.muli %sub3A_189, %mul3A_190 : i32
          %add3A_192 = arith.addi %mul3A_4, %mul3A_191 : i32
          %dma_wait3A_193 = arith.constant 0 : i32
          %dma_wait3A_194 = arith.constant 0 : i32
          %dma_wait3A_195 = arith.constant 0 : i32
          %dma_wait3A_196 = tpu.memref_slice %arg8[%dma_wait3A_193, %dma_wait3A_194, %dma_wait3A_195] : memref<2x8x2048xf32, #tpu.memory_space<vmem>> -> memref<1x8x2048xf32, #tpu.memory_space<vmem>>
          %dma_wait3A_197 = tpu.memref_squeeze %dma_wait3A_196 : memref<1x8x2048xf32, #tpu.memory_space<vmem>> -> memref<8x2048xf32, #tpu.memory_space<vmem>>
          %dma_wait3A_198 = arith.constant 0 : i32
          %dma_wait3A_199 = tpu.memref_slice %arg5[%add3A_192, %dma_wait3A_198] : memref<32768x2048xf32, #tpu.memory_space<hbm>> -> memref<8x2048xf32, #tpu.memory_space<hbm>>
          %dma_wait3A_200 = arith.constant 0 : i32
          %dma_wait3A_201 = tpu.memref_slice %arg5[%add3A_192, %dma_wait3A_200] : memref<32768x2048xf32, #tpu.memory_space<hbm>> -> memref<8x2048xf32, #tpu.memory_space<hbm>>
          %dma_wait3A_202 = arith.constant 0 : i32
          %dma_wait3A_203 = arith.constant 0 : i32
          %dma_wait3A_204 = tpu.memref_slice %arg8[%dma_wait3A_193, %dma_wait3A_202, %dma_wait3A_203] : memref<2x8x2048xf32, #tpu.memory_space<vmem>> -> memref<1x8x2048xf32, #tpu.memory_space<vmem>>
          %dma_wait3A_205 = tpu.memref_squeeze %dma_wait3A_204 : memref<1x8x2048xf32, #tpu.memory_space<vmem>> -> memref<8x2048xf32, #tpu.memory_space<vmem>>
          tpu.wait_dma2 semaphore(%arg14 : memref<!tpu.dma_semaphore, #tpu.memory_space<semaphore_mem>>) src(%dma_wait3A_205 : memref<8x2048xf32, #tpu.memory_space<vmem>>) dst(%dma_wait3A_201 : memref<8x2048xf32, #tpu.memory_space<hbm>>)
        } else {
        }
        %parallel_loop3A = arith.constant 0 : i32
        %parallel_loop3A_171 = arith.constant 1024 : i32
        %parallel_loop3A_172 = arith.constant 1 : i32
        scf.for %parallel_loop3A_189 = %parallel_loop3A to %parallel_loop3A_171 step %parallel_loop3A_172  : i32 {
          %parallel_loop3A_190 = arith.constant 7 : i32
          %parallel_loop3A_191 = arith.shrsi %parallel_loop3A_189, %parallel_loop3A_190 : i32
          %parallel_loop3A_192 = arith.constant 127 : i32
          %parallel_loop3A_193 = arith.andi %parallel_loop3A_189, %parallel_loop3A_192 : i32
          %parallel_loop3A_194 = arith.constant 16 : i32
          %parallel_loop3A_195 = arith.muli %parallel_loop3A_193, %parallel_loop3A_194 : i32
          %parallel_loop3A_196 = arith.constant 4 : i32
          %parallel_loop3A_197 = arith.index_cast %parallel_loop3A_196 : i32 to index
          %parallel_loop3A_198 = arith.index_cast %parallel_loop3A_191 : i32 to index
          %parallel_loop3A_199 = arith.index_cast %parallel_loop3A_195 : i32 to index
          %parallel_loop3A_200 = tpu.vector_load %arg7[%parallel_loop3A_197, %parallel_loop3A_198, %parallel_loop3A_199] {strides = array<i32>} : memref<5x8x2048xf32, #tpu.memory_space<vmem>>, vector<1x1x16xf32>,
          %parallel_loop3A_201 = vector.shape_cast %parallel_loop3A_200 : vector<1x1x16xf32> to vector<16xf32>
          %parallel_loop3A_202 = vector.broadcast %squeeze3A : f32 to vector<16xf32>
          %parallel_loop3A_203 = arith.mulf %parallel_loop3A_201, %parallel_loop3A_202 : vector<16xf32>
          %parallel_loop3A_204 = arith.constant 0 : i32
          %parallel_loop3A_205 = arith.index_cast %parallel_loop3A_204 : i32 to index
          %parallel_loop3A_206 = arith.index_cast %parallel_loop3A_191 : i32 to index
          %parallel_loop3A_207 = arith.index_cast %parallel_loop3A_195 : i32 to index
          %parallel_loop3A_208 = tpu.vector_load %arg8[%parallel_loop3A_205, %parallel_loop3A_206, %parallel_loop3A_207] {strides = array<i32>} : memref<2x8x2048xf32, #tpu.memory_space<vmem>>, vector<1x1x16xf32>,
          %parallel_loop3A_209 = vector.shape_cast %parallel_loop3A_208 : vector<1x1x16xf32> to vector<16xf32>
          %parallel_loop3A_210 = vector.shape_cast %parallel_loop3A_203 : vector<16xf32> to vector<1x1x16xf32>
          tpu.vector_store %arg8[%parallel_loop3A_205, %parallel_loop3A_206, %parallel_loop3A_207], %parallel_loop3A_210 {strides = array<i32>} : memref<2x8x2048xf32, #tpu.memory_space<vmem>>, vector<1x1x16xf32>,
        } {sc.loop_unroll_factor = 8 : i64, sc.parallel_access}
        %mul3A_173 = arith.constant 8 : i32
        %mul3A_174 = arith.muli %add3A_108, %mul3A_173 : i32
        %add3A_175 = arith.addi %mul3A_4, %mul3A_174 : i32
        %dma_start3A_176 = arith.constant 0 : i32
        %dma_start3A_177 = arith.constant 0 : i32
        %dma_start3A_178 = arith.constant 0 : i32
        %dma_start3A_179 = tpu.memref_slice %arg8[%dma_start3A_176, %dma_start3A_177, %dma_start3A_178] : memref<2x8x2048xf32, #tpu.memory_space<vmem>> -> memref<1x8x2048xf32, #tpu.memory_space<vmem>>
        %dma_start3A_180 = tpu.memref_squeeze %dma_start3A_179 : memref<1x8x2048xf32, #tpu.memory_space<vmem>> -> memref<8x2048xf32, #tpu.memory_space<vmem>>
        %dma_start3A_181 = arith.constant 0 : i32
        %dma_start3A_182 = tpu.memref_slice %arg5[%add3A_175, %dma_start3A_181] : memref<32768x2048xf32, #tpu.memory_space<hbm>> -> memref<8x2048xf32, #tpu.memory_space<hbm>>
        %dma_start3A_183 = arith.constant 0 : i32
        %dma_start3A_184 = tpu.memref_slice %arg5[%add3A_175, %dma_start3A_183] : memref<32768x2048xf32, #tpu.memory_space<hbm>> -> memref<8x2048xf32, #tpu.memory_space<hbm>>
        %dma_start3A_185 = arith.constant 0 : i32
        %dma_start3A_186 = arith.constant 0 : i32
        %dma_start3A_187 = tpu.memref_slice %arg8[%dma_start3A_176, %dma_start3A_185, %dma_start3A_186] : memref<2x8x2048xf32, #tpu.memory_space<vmem>> -> memref<1x8x2048xf32, #tpu.memory_space<vmem>>
        %dma_start3A_188 = tpu.memref_squeeze %dma_start3A_187 : memref<1x8x2048xf32, #tpu.memory_space<vmem>> -> memref<8x2048xf32, #tpu.memory_space<vmem>>
        tpu.enqueue_dma source(%dma_start3A_188 : memref<8x2048xf32, #tpu.memory_space<vmem>>) target(%dma_start3A_184 : memref<8x2048xf32, #tpu.memory_space<hbm>>) target_semaphore(%arg14 : memref<!tpu.dma_semaphore, #tpu.memory_space<semaphore_mem>>)
      } else {
      }
      %add3A_114 = arith.constant 5 : i32
      %add3A_115 = arith.addi %add3A_81, %add3A_114 : i32
      %lt3A_116 = arith.constant 128 : i32
      %lt3A_117 = arith.cmpi slt, %add3A_115, %lt3A_116 : i32
      %convert_element_type3A_118 = arith.extui %lt3A_117 : i1 to i32
      %cond3A_119 = arith.constant 0 : i32
      %cond3A_120 = arith.cmpi ne, %convert_element_type3A_118, %cond3A_119 : i32
      scf.if %cond3A_120 {
        %add3A_149 = arith.constant 4 : i32
        %add3A_150 = arith.addi %add3A_115, %add3A_149 : i32
        %lt3A_151 = arith.constant 128 : i32
        %lt3A_152 = arith.cmpi slt, %add3A_150, %lt3A_151 : i32
        %convert_element_type3A_153 = arith.extui %lt3A_152 : i1 to i32
        %cond3A_154 = arith.constant 0 : i32
        %cond3A_155 = arith.cmpi ne, %convert_element_type3A_153, %cond3A_154 : i32
        scf.if %cond3A_155 {
          %mul3A_189 = arith.constant 8 : i32
          %mul3A_190 = arith.muli %add3A_150, %mul3A_189 : i32
          %dma_start3A_191 = arith.constant 4 : i32
          %dma_start3A_192 = arith.constant 0 : i32
          %dma_start3A_193 = arith.constant 0 : i32
          %dma_start3A_194 = tpu.memref_slice %arg7[%dma_start3A_191, %dma_start3A_192, %dma_start3A_193] : memref<5x8x2048xf32, #tpu.memory_space<vmem>> -> memref<1x8x2048xf32, #tpu.memory_space<vmem>>
          %dma_start3A_195 = tpu.memref_squeeze %dma_start3A_194 : memref<1x8x2048xf32, #tpu.memory_space<vmem>> -> memref<8x2048xf32, #tpu.memory_space<vmem>>
          %dma_start3A_196 = tpu.memref_slice %arg6[%mul3A_190] : memref<1024xi32, #tpu.memory_space<vmem>> -> memref<8xi32, #tpu.memory_space<vmem>>
          %dma_start3A_197 = arith.constant 0 : i32
          %dma_start3A_198 = arith.constant 0 : i32
          %dma_start3A_199 = tpu.memref_slice %arg3[%dma_start3A_197, %dma_start3A_198] : memref<100000x2048xf32, #tpu.memory_space<hbm>> -> memref<100000x2048xf32, #tpu.memory_space<hbm>>
          tpu.enqueue_indirect_dma source(%dma_start3A_199 : memref<100000x2048xf32, #tpu.memory_space<hbm>>) target(%dma_start3A_195 : memref<8x2048xf32, #tpu.memory_space<vmem>>) offsets(%dma_start3A_196 : memref<8xi32, #tpu.memory_space<vmem>>) semaphore(%arg13 : memref<!tpu.dma_semaphore, #tpu.memory_space<semaphore_mem>>)
        } else {
        }
        %mul3A_156 = arith.constant 8 : i32
        %mul3A_157 = arith.muli %add3A_115, %mul3A_156 : i32
        %dma_wait3A_158 = arith.constant 0 : i32
        %dma_wait3A_159 = arith.constant 0 : i32
        %dma_wait3A_160 = arith.constant 0 : i32
        %dma_wait3A_161 = tpu.memref_slice %arg7[%dma_wait3A_158, %dma_wait3A_159, %dma_wait3A_160] : memref<5x8x2048xf32, #tpu.memory_space<vmem>> -> memref<1x8x2048xf32, #tpu.memory_space<vmem>>
        %dma_wait3A_162 = tpu.memref_squeeze %dma_wait3A_161 : memref<1x8x2048xf32, #tpu.memory_space<vmem>> -> memref<8x2048xf32, #tpu.memory_space<vmem>>
        %dma_wait3A_163 = tpu.memref_slice %arg6[%mul3A_157] : memref<1024xi32, #tpu.memory_space<vmem>> -> memref<8xi32, #tpu.memory_space<vmem>>
        %dma_wait3A_164 = arith.constant 0 : i32
        %dma_wait3A_165 = arith.constant 0 : i32
        %dma_wait3A_166 = tpu.memref_slice %arg3[%dma_wait3A_164, %dma_wait3A_165] : memref<100000x2048xf32, #tpu.memory_space<hbm>> -> memref<100000x2048xf32, #tpu.memory_space<hbm>>
        tpu.wait_indirect_dma semaphore(%arg9 : memref<!tpu.dma_semaphore, #tpu.memory_space<semaphore_mem>>) src(%dma_wait3A_166 : memref<100000x2048xf32, #tpu.memory_space<hbm>>) dst(%dma_wait3A_162 : memref<8x2048xf32, #tpu.memory_space<vmem>>)
        %ge3A = arith.constant 2 : i32
        %ge3A_167 = arith.cmpi sge, %add3A_115, %ge3A : i32
        %convert_element_type3A_168 = arith.extui %ge3A_167 : i1 to i32
        %cond3A_169 = arith.constant 0 : i32
        %cond3A_170 = arith.cmpi ne, %convert_element_type3A_168, %cond3A_169 : i32
        scf.if %cond3A_170 {
          %sub3A = arith.constant 2 : i32
          %sub3A_189 = arith.subi %add3A_115, %sub3A : i32
          %mul3A_190 = arith.constant 8 : i32
          %mul3A_191 = arith.muli %sub3A_189, %mul3A_190 : i32
          %add3A_192 = arith.addi %mul3A_4, %mul3A_191 : i32
          %dma_wait3A_193 = arith.constant 1 : i32
          %dma_wait3A_194 = arith.constant 0 : i32
          %dma_wait3A_195 = arith.constant 0 : i32
          %dma_wait3A_196 = tpu.memref_slice %arg8[%dma_wait3A_193, %dma_wait3A_194, %dma_wait3A_195] : memref<2x8x2048xf32, #tpu.memory_space<vmem>> -> memref<1x8x2048xf32, #tpu.memory_space<vmem>>
          %dma_wait3A_197 = tpu.memref_squeeze %dma_wait3A_196 : memref<1x8x2048xf32, #tpu.memory_space<vmem>> -> memref<8x2048xf32, #tpu.memory_space<vmem>>
          %dma_wait3A_198 = arith.constant 0 : i32
          %dma_wait3A_199 = tpu.memref_slice %arg5[%add3A_192, %dma_wait3A_198] : memref<32768x2048xf32, #tpu.memory_space<hbm>> -> memref<8x2048xf32, #tpu.memory_space<hbm>>
          %dma_wait3A_200 = arith.constant 0 : i32
          %dma_wait3A_201 = tpu.memref_slice %arg5[%add3A_192, %dma_wait3A_200] : memref<32768x2048xf32, #tpu.memory_space<hbm>> -> memref<8x2048xf32, #tpu.memory_space<hbm>>
          %dma_wait3A_202 = arith.constant 0 : i32
          %dma_wait3A_203 = arith.constant 0 : i32
          %dma_wait3A_204 = tpu.memref_slice %arg8[%dma_wait3A_193, %dma_wait3A_202, %dma_wait3A_203] : memref<2x8x2048xf32, #tpu.memory_space<vmem>> -> memref<1x8x2048xf32, #tpu.memory_space<vmem>>
          %dma_wait3A_205 = tpu.memref_squeeze %dma_wait3A_204 : memref<1x8x2048xf32, #tpu.memory_space<vmem>> -> memref<8x2048xf32, #tpu.memory_space<vmem>>
          tpu.wait_dma2 semaphore(%arg15 : memref<!tpu.dma_semaphore, #tpu.memory_space<semaphore_mem>>) src(%dma_wait3A_205 : memref<8x2048xf32, #tpu.memory_space<vmem>>) dst(%dma_wait3A_201 : memref<8x2048xf32, #tpu.memory_space<hbm>>)
        } else {
        }
        %parallel_loop3A = arith.constant 0 : i32
        %parallel_loop3A_171 = arith.constant 1024 : i32
        %parallel_loop3A_172 = arith.constant 1 : i32
        scf.for %parallel_loop3A_189 = %parallel_loop3A to %parallel_loop3A_171 step %parallel_loop3A_172  : i32 {
          %parallel_loop3A_190 = arith.constant 7 : i32
          %parallel_loop3A_191 = arith.shrsi %parallel_loop3A_189, %parallel_loop3A_190 : i32
          %parallel_loop3A_192 = arith.constant 127 : i32
          %parallel_loop3A_193 = arith.andi %parallel_loop3A_189, %parallel_loop3A_192 : i32
          %parallel_loop3A_194 = arith.constant 16 : i32
          %parallel_loop3A_195 = arith.muli %parallel_loop3A_193, %parallel_loop3A_194 : i32
          %parallel_loop3A_196 = arith.constant 0 : i32
          %parallel_loop3A_197 = arith.index_cast %parallel_loop3A_196 : i32 to index
          %parallel_loop3A_198 = arith.index_cast %parallel_loop3A_191 : i32 to index
          %parallel_loop3A_199 = arith.index_cast %parallel_loop3A_195 : i32 to index
          %parallel_loop3A_200 = tpu.vector_load %arg7[%parallel_loop3A_197, %parallel_loop3A_198, %parallel_loop3A_199] {strides = array<i32>} : memref<5x8x2048xf32, #tpu.memory_space<vmem>>, vector<1x1x16xf32>,
          %parallel_loop3A_201 = vector.shape_cast %parallel_loop3A_200 : vector<1x1x16xf32> to vector<16xf32>
          %parallel_loop3A_202 = vector.broadcast %squeeze3A : f32 to vector<16xf32>
          %parallel_loop3A_203 = arith.mulf %parallel_loop3A_201, %parallel_loop3A_202 : vector<16xf32>
          %parallel_loop3A_204 = arith.constant 1 : i32
          %parallel_loop3A_205 = arith.index_cast %parallel_loop3A_204 : i32 to index
          %parallel_loop3A_206 = arith.index_cast %parallel_loop3A_191 : i32 to index
          %parallel_loop3A_207 = arith.index_cast %parallel_loop3A_195 : i32 to index
          %parallel_loop3A_208 = tpu.vector_load %arg8[%parallel_loop3A_205, %parallel_loop3A_206, %parallel_loop3A_207] {strides = array<i32>} : memref<2x8x2048xf32, #tpu.memory_space<vmem>>, vector<1x1x16xf32>,
          %parallel_loop3A_209 = vector.shape_cast %parallel_loop3A_208 : vector<1x1x16xf32> to vector<16xf32>
          %parallel_loop3A_210 = vector.shape_cast %parallel_loop3A_203 : vector<16xf32> to vector<1x1x16xf32>
          tpu.vector_store %arg8[%parallel_loop3A_205, %parallel_loop3A_206, %parallel_loop3A_207], %parallel_loop3A_210 {strides = array<i32>} : memref<2x8x2048xf32, #tpu.memory_space<vmem>>, vector<1x1x16xf32>,
        } {sc.loop_unroll_factor = 8 : i64, sc.parallel_access}
        %mul3A_173 = arith.constant 8 : i32
        %mul3A_174 = arith.muli %add3A_115, %mul3A_173 : i32
        %add3A_175 = arith.addi %mul3A_4, %mul3A_174 : i32
        %dma_start3A_176 = arith.constant 1 : i32
        %dma_start3A_177 = arith.constant 0 : i32
        %dma_start3A_178 = arith.constant 0 : i32
        %dma_start3A_179 = tpu.memref_slice %arg8[%dma_start3A_176, %dma_start3A_177, %dma_start3A_178] : memref<2x8x2048xf32, #tpu.memory_space<vmem>> -> memref<1x8x2048xf32, #tpu.memory_space<vmem>>
        %dma_start3A_180 = tpu.memref_squeeze %dma_start3A_179 : memref<1x8x2048xf32, #tpu.memory_space<vmem>> -> memref<8x2048xf32, #tpu.memory_space<vmem>>
        %dma_start3A_181 = arith.constant 0 : i32
        %dma_start3A_182 = tpu.memref_slice %arg5[%add3A_175, %dma_start3A_181] : memref<32768x2048xf32, #tpu.memory_space<hbm>> -> memref<8x2048xf32, #tpu.memory_space<hbm>>
        %dma_start3A_183 = arith.constant 0 : i32
        %dma_start3A_184 = tpu.memref_slice %arg5[%add3A_175, %dma_start3A_183] : memref<32768x2048xf32, #tpu.memory_space<hbm>> -> memref<8x2048xf32, #tpu.memory_space<hbm>>
        %dma_start3A_185 = arith.constant 0 : i32
        %dma_start3A_186 = arith.constant 0 : i32
        %dma_start3A_187 = tpu.memref_slice %arg8[%dma_start3A_176, %dma_start3A_185, %dma_start3A_186] : memref<2x8x2048xf32, #tpu.memory_space<vmem>> -> memref<1x8x2048xf32, #tpu.memory_space<vmem>>
        %dma_start3A_188 = tpu.memref_squeeze %dma_start3A_187 : memref<1x8x2048xf32, #tpu.memory_space<vmem>> -> memref<8x2048xf32, #tpu.memory_space<vmem>>
        tpu.enqueue_dma source(%dma_start3A_188 : memref<8x2048xf32, #tpu.memory_space<vmem>>) target(%dma_start3A_184 : memref<8x2048xf32, #tpu.memory_space<hbm>>) target_semaphore(%arg15 : memref<!tpu.dma_semaphore, #tpu.memory_space<semaphore_mem>>)
      } else {
      }
      %add3A_121 = arith.constant 6 : i32
      %add3A_122 = arith.addi %add3A_81, %add3A_121 : i32
      %lt3A_123 = arith.constant 128 : i32
      %lt3A_124 = arith.cmpi slt, %add3A_122, %lt3A_123 : i32
      %convert_element_type3A_125 = arith.extui %lt3A_124 : i1 to i32
      %cond3A_126 = arith.constant 0 : i32
      %cond3A_127 = arith.cmpi ne, %convert_element_type3A_125, %cond3A_126 : i32
      scf.if %cond3A_127 {
        %add3A_149 = arith.constant 4 : i32
        %add3A_150 = arith.addi %add3A_122, %add3A_149 : i32
        %lt3A_151 = arith.constant 128 : i32
        %lt3A_152 = arith.cmpi slt, %add3A_150, %lt3A_151 : i32
        %convert_element_type3A_153 = arith.extui %lt3A_152 : i1 to i32
        %cond3A_154 = arith.constant 0 : i32
        %cond3A_155 = arith.cmpi ne, %convert_element_type3A_153, %cond3A_154 : i32
        scf.if %cond3A_155 {
          %mul3A_189 = arith.constant 8 : i32
          %mul3A_190 = arith.muli %add3A_150, %mul3A_189 : i32
          %dma_start3A_191 = arith.constant 0 : i32
          %dma_start3A_192 = arith.constant 0 : i32
          %dma_start3A_193 = arith.constant 0 : i32
          %dma_start3A_194 = tpu.memref_slice %arg7[%dma_start3A_191, %dma_start3A_192, %dma_start3A_193] : memref<5x8x2048xf32, #tpu.memory_space<vmem>> -> memref<1x8x2048xf32, #tpu.memory_space<vmem>>
          %dma_start3A_195 = tpu.memref_squeeze %dma_start3A_194 : memref<1x8x2048xf32, #tpu.memory_space<vmem>> -> memref<8x2048xf32, #tpu.memory_space<vmem>>
          %dma_start3A_196 = tpu.memref_slice %arg6[%mul3A_190] : memref<1024xi32, #tpu.memory_space<vmem>> -> memref<8xi32, #tpu.memory_space<vmem>>
          %dma_start3A_197 = arith.constant 0 : i32
          %dma_start3A_198 = arith.constant 0 : i32
          %dma_start3A_199 = tpu.memref_slice %arg3[%dma_start3A_197, %dma_start3A_198] : memref<100000x2048xf32, #tpu.memory_space<hbm>> -> memref<100000x2048xf32, #tpu.memory_space<hbm>>
          tpu.enqueue_indirect_dma source(%dma_start3A_199 : memref<100000x2048xf32, #tpu.memory_space<hbm>>) target(%dma_start3A_195 : memref<8x2048xf32, #tpu.memory_space<vmem>>) offsets(%dma_start3A_196 : memref<8xi32, #tpu.memory_space<vmem>>) semaphore(%arg9 : memref<!tpu.dma_semaphore, #tpu.memory_space<semaphore_mem>>)
        } else {
        }
        %mul3A_156 = arith.constant 8 : i32
        %mul3A_157 = arith.muli %add3A_122, %mul3A_156 : i32
        %dma_wait3A_158 = arith.constant 1 : i32
        %dma_wait3A_159 = arith.constant 0 : i32
        %dma_wait3A_160 = arith.constant 0 : i32
        %dma_wait3A_161 = tpu.memref_slice %arg7[%dma_wait3A_158, %dma_wait3A_159, %dma_wait3A_160] : memref<5x8x2048xf32, #tpu.memory_space<vmem>> -> memref<1x8x2048xf32, #tpu.memory_space<vmem>>
        %dma_wait3A_162 = tpu.memref_squeeze %dma_wait3A_161 : memref<1x8x2048xf32, #tpu.memory_space<vmem>> -> memref<8x2048xf32, #tpu.memory_space<vmem>>
        %dma_wait3A_163 = tpu.memref_slice %arg6[%mul3A_157] : memref<1024xi32, #tpu.memory_space<vmem>> -> memref<8xi32, #tpu.memory_space<vmem>>
        %dma_wait3A_164 = arith.constant 0 : i32
        %dma_wait3A_165 = arith.constant 0 : i32
        %dma_wait3A_166 = tpu.memref_slice %arg3[%dma_wait3A_164, %dma_wait3A_165] : memref<100000x2048xf32, #tpu.memory_space<hbm>> -> memref<100000x2048xf32, #tpu.memory_space<hbm>>
        tpu.wait_indirect_dma semaphore(%arg10 : memref<!tpu.dma_semaphore, #tpu.memory_space<semaphore_mem>>) src(%dma_wait3A_166 : memref<100000x2048xf32, #tpu.memory_space<hbm>>) dst(%dma_wait3A_162 : memref<8x2048xf32, #tpu.memory_space<vmem>>)
        %ge3A = arith.constant 2 : i32
        %ge3A_167 = arith.cmpi sge, %add3A_122, %ge3A : i32
        %convert_element_type3A_168 = arith.extui %ge3A_167 : i1 to i32
        %cond3A_169 = arith.constant 0 : i32
        %cond3A_170 = arith.cmpi ne, %convert_element_type3A_168, %cond3A_169 : i32
        scf.if %cond3A_170 {
          %sub3A = arith.constant 2 : i32
          %sub3A_189 = arith.subi %add3A_122, %sub3A : i32
          %mul3A_190 = arith.constant 8 : i32
          %mul3A_191 = arith.muli %sub3A_189, %mul3A_190 : i32
          %add3A_192 = arith.addi %mul3A_4, %mul3A_191 : i32
          %dma_wait3A_193 = arith.constant 0 : i32
          %dma_wait3A_194 = arith.constant 0 : i32
          %dma_wait3A_195 = arith.constant 0 : i32
          %dma_wait3A_196 = tpu.memref_slice %arg8[%dma_wait3A_193, %dma_wait3A_194, %dma_wait3A_195] : memref<2x8x2048xf32, #tpu.memory_space<vmem>> -> memref<1x8x2048xf32, #tpu.memory_space<vmem>>
          %dma_wait3A_197 = tpu.memref_squeeze %dma_wait3A_196 : memref<1x8x2048xf32, #tpu.memory_space<vmem>> -> memref<8x2048xf32, #tpu.memory_space<vmem>>
          %dma_wait3A_198 = arith.constant 0 : i32
          %dma_wait3A_199 = tpu.memref_slice %arg5[%add3A_192, %dma_wait3A_198] : memref<32768x2048xf32, #tpu.memory_space<hbm>> -> memref<8x2048xf32, #tpu.memory_space<hbm>>
          %dma_wait3A_200 = arith.constant 0 : i32
          %dma_wait3A_201 = tpu.memref_slice %arg5[%add3A_192, %dma_wait3A_200] : memref<32768x2048xf32, #tpu.memory_space<hbm>> -> memref<8x2048xf32, #tpu.memory_space<hbm>>
          %dma_wait3A_202 = arith.constant 0 : i32
          %dma_wait3A_203 = arith.constant 0 : i32
          %dma_wait3A_204 = tpu.memref_slice %arg8[%dma_wait3A_193, %dma_wait3A_202, %dma_wait3A_203] : memref<2x8x2048xf32, #tpu.memory_space<vmem>> -> memref<1x8x2048xf32, #tpu.memory_space<vmem>>
          %dma_wait3A_205 = tpu.memref_squeeze %dma_wait3A_204 : memref<1x8x2048xf32, #tpu.memory_space<vmem>> -> memref<8x2048xf32, #tpu.memory_space<vmem>>
          tpu.wait_dma2 semaphore(%arg14 : memref<!tpu.dma_semaphore, #tpu.memory_space<semaphore_mem>>) src(%dma_wait3A_205 : memref<8x2048xf32, #tpu.memory_space<vmem>>) dst(%dma_wait3A_201 : memref<8x2048xf32, #tpu.memory_space<hbm>>)
        } else {
        }
        %parallel_loop3A = arith.constant 0 : i32
        %parallel_loop3A_171 = arith.constant 1024 : i32
        %parallel_loop3A_172 = arith.constant 1 : i32
        scf.for %parallel_loop3A_189 = %parallel_loop3A to %parallel_loop3A_171 step %parallel_loop3A_172  : i32 {
          %parallel_loop3A_190 = arith.constant 7 : i32
          %parallel_loop3A_191 = arith.shrsi %parallel_loop3A_189, %parallel_loop3A_190 : i32
          %parallel_loop3A_192 = arith.constant 127 : i32
          %parallel_loop3A_193 = arith.andi %parallel_loop3A_189, %parallel_loop3A_192 : i32
          %parallel_loop3A_194 = arith.constant 16 : i32
          %parallel_loop3A_195 = arith.muli %parallel_loop3A_193, %parallel_loop3A_194 : i32
          %parallel_loop3A_196 = arith.constant 1 : i32
          %parallel_loop3A_197 = arith.index_cast %parallel_loop3A_196 : i32 to index
          %parallel_loop3A_198 = arith.index_cast %parallel_loop3A_191 : i32 to index
          %parallel_loop3A_199 = arith.index_cast %parallel_loop3A_195 : i32 to index
          %parallel_loop3A_200 = tpu.vector_load %arg7[%parallel_loop3A_197, %parallel_loop3A_198, %parallel_loop3A_199] {strides = array<i32>} : memref<5x8x2048xf32, #tpu.memory_space<vmem>>, vector<1x1x16xf32>,
          %parallel_loop3A_201 = vector.shape_cast %parallel_loop3A_200 : vector<1x1x16xf32> to vector<16xf32>
          %parallel_loop3A_202 = vector.broadcast %squeeze3A : f32 to vector<16xf32>
          %parallel_loop3A_203 = arith.mulf %parallel_loop3A_201, %parallel_loop3A_202 : vector<16xf32>
          %parallel_loop3A_204 = arith.constant 0 : i32
          %parallel_loop3A_205 = arith.index_cast %parallel_loop3A_204 : i32 to index
          %parallel_loop3A_206 = arith.index_cast %parallel_loop3A_191 : i32 to index
          %parallel_loop3A_207 = arith.index_cast %parallel_loop3A_195 : i32 to index
          %parallel_loop3A_208 = tpu.vector_load %arg8[%parallel_loop3A_205, %parallel_loop3A_206, %parallel_loop3A_207] {strides = array<i32>} : memref<2x8x2048xf32, #tpu.memory_space<vmem>>, vector<1x1x16xf32>,
          %parallel_loop3A_209 = vector.shape_cast %parallel_loop3A_208 : vector<1x1x16xf32> to vector<16xf32>
          %parallel_loop3A_210 = vector.shape_cast %parallel_loop3A_203 : vector<16xf32> to vector<1x1x16xf32>
          tpu.vector_store %arg8[%parallel_loop3A_205, %parallel_loop3A_206, %parallel_loop3A_207], %parallel_loop3A_210 {strides = array<i32>} : memref<2x8x2048xf32, #tpu.memory_space<vmem>>, vector<1x1x16xf32>,
        } {sc.loop_unroll_factor = 8 : i64, sc.parallel_access}
        %mul3A_173 = arith.constant 8 : i32
        %mul3A_174 = arith.muli %add3A_122, %mul3A_173 : i32
        %add3A_175 = arith.addi %mul3A_4, %mul3A_174 : i32
        %dma_start3A_176 = arith.constant 0 : i32
        %dma_start3A_177 = arith.constant 0 : i32
        %dma_start3A_178 = arith.constant 0 : i32
        %dma_start3A_179 = tpu.memref_slice %arg8[%dma_start3A_176, %dma_start3A_177, %dma_start3A_178] : memref<2x8x2048xf32, #tpu.memory_space<vmem>> -> memref<1x8x2048xf32, #tpu.memory_space<vmem>>
        %dma_start3A_180 = tpu.memref_squeeze %dma_start3A_179 : memref<1x8x2048xf32, #tpu.memory_space<vmem>> -> memref<8x2048xf32, #tpu.memory_space<vmem>>
        %dma_start3A_181 = arith.constant 0 : i32
        %dma_start3A_182 = tpu.memref_slice %arg5[%add3A_175, %dma_start3A_181] : memref<32768x2048xf32, #tpu.memory_space<hbm>> -> memref<8x2048xf32, #tpu.memory_space<hbm>>
        %dma_start3A_183 = arith.constant 0 : i32
        %dma_start3A_184 = tpu.memref_slice %arg5[%add3A_175, %dma_start3A_183] : memref<32768x2048xf32, #tpu.memory_space<hbm>> -> memref<8x2048xf32, #tpu.memory_space<hbm>>
        %dma_start3A_185 = arith.constant 0 : i32
        %dma_start3A_186 = arith.constant 0 : i32
        %dma_start3A_187 = tpu.memref_slice %arg8[%dma_start3A_176, %dma_start3A_185, %dma_start3A_186] : memref<2x8x2048xf32, #tpu.memory_space<vmem>> -> memref<1x8x2048xf32, #tpu.memory_space<vmem>>
        %dma_start3A_188 = tpu.memref_squeeze %dma_start3A_187 : memref<1x8x2048xf32, #tpu.memory_space<vmem>> -> memref<8x2048xf32, #tpu.memory_space<vmem>>
        tpu.enqueue_dma source(%dma_start3A_188 : memref<8x2048xf32, #tpu.memory_space<vmem>>) target(%dma_start3A_184 : memref<8x2048xf32, #tpu.memory_space<hbm>>) target_semaphore(%arg14 : memref<!tpu.dma_semaphore, #tpu.memory_space<semaphore_mem>>)
      } else {
      }
      %add3A_128 = arith.constant 7 : i32
      %add3A_129 = arith.addi %add3A_81, %add3A_128 : i32
      %lt3A_130 = arith.constant 128 : i32
      %lt3A_131 = arith.cmpi slt, %add3A_129, %lt3A_130 : i32
      %convert_element_type3A_132 = arith.extui %lt3A_131 : i1 to i32
      %cond3A_133 = arith.constant 0 : i32
      %cond3A_134 = arith.cmpi ne, %convert_element_type3A_132, %cond3A_133 : i32
      scf.if %cond3A_134 {
        %add3A_149 = arith.constant 4 : i32
        %add3A_150 = arith.addi %add3A_129, %add3A_149 : i32
        %lt3A_151 = arith.constant 128 : i32
        %lt3A_152 = arith.cmpi slt, %add3A_150, %lt3A_151 : i32
        %convert_element_type3A_153 = arith.extui %lt3A_152 : i1 to i32
        %cond3A_154 = arith.constant 0 : i32
        %cond3A_155 = arith.cmpi ne, %convert_element_type3A_153, %cond3A_154 : i32
        scf.if %cond3A_155 {
          %mul3A_189 = arith.constant 8 : i32
          %mul3A_190 = arith.muli %add3A_150, %mul3A_189 : i32
          %dma_start3A_191 = arith.constant 1 : i32
          %dma_start3A_192 = arith.constant 0 : i32
          %dma_start3A_193 = arith.constant 0 : i32
          %dma_start3A_194 = tpu.memref_slice %arg7[%dma_start3A_191, %dma_start3A_192, %dma_start3A_193] : memref<5x8x2048xf32, #tpu.memory_space<vmem>> -> memref<1x8x2048xf32, #tpu.memory_space<vmem>>
          %dma_start3A_195 = tpu.memref_squeeze %dma_start3A_194 : memref<1x8x2048xf32, #tpu.memory_space<vmem>> -> memref<8x2048xf32, #tpu.memory_space<vmem>>
          %dma_start3A_196 = tpu.memref_slice %arg6[%mul3A_190] : memref<1024xi32, #tpu.memory_space<vmem>> -> memref<8xi32, #tpu.memory_space<vmem>>
          %dma_start3A_197 = arith.constant 0 : i32
          %dma_start3A_198 = arith.constant 0 : i32
          %dma_start3A_199 = tpu.memref_slice %arg3[%dma_start3A_197, %dma_start3A_198] : memref<100000x2048xf32, #tpu.memory_space<hbm>> -> memref<100000x2048xf32, #tpu.memory_space<hbm>>
          tpu.enqueue_indirect_dma source(%dma_start3A_199 : memref<100000x2048xf32, #tpu.memory_space<hbm>>) target(%dma_start3A_195 : memref<8x2048xf32, #tpu.memory_space<vmem>>) offsets(%dma_start3A_196 : memref<8xi32, #tpu.memory_space<vmem>>) semaphore(%arg10 : memref<!tpu.dma_semaphore, #tpu.memory_space<semaphore_mem>>)
        } else {
        }
        %mul3A_156 = arith.constant 8 : i32
        %mul3A_157 = arith.muli %add3A_129, %mul3A_156 : i32
        %dma_wait3A_158 = arith.constant 2 : i32
        %dma_wait3A_159 = arith.constant 0 : i32
        %dma_wait3A_160 = arith.constant 0 : i32
        %dma_wait3A_161 = tpu.memref_slice %arg7[%dma_wait3A_158, %dma_wait3A_159, %dma_wait3A_160] : memref<5x8x2048xf32, #tpu.memory_space<vmem>> -> memref<1x8x2048xf32, #tpu.memory_space<vmem>>
        %dma_wait3A_162 = tpu.memref_squeeze %dma_wait3A_161 : memref<1x8x2048xf32, #tpu.memory_space<vmem>> -> memref<8x2048xf32, #tpu.memory_space<vmem>>
        %dma_wait3A_163 = tpu.memref_slice %arg6[%mul3A_157] : memref<1024xi32, #tpu.memory_space<vmem>> -> memref<8xi32, #tpu.memory_space<vmem>>
        %dma_wait3A_164 = arith.constant 0 : i32
        %dma_wait3A_165 = arith.constant 0 : i32
        %dma_wait3A_166 = tpu.memref_slice %arg3[%dma_wait3A_164, %dma_wait3A_165] : memref<100000x2048xf32, #tpu.memory_space<hbm>> -> memref<100000x2048xf32, #tpu.memory_space<hbm>>
        tpu.wait_indirect_dma semaphore(%arg11 : memref<!tpu.dma_semaphore, #tpu.memory_space<semaphore_mem>>) src(%dma_wait3A_166 : memref<100000x2048xf32, #tpu.memory_space<hbm>>) dst(%dma_wait3A_162 : memref<8x2048xf32, #tpu.memory_space<vmem>>)
        %ge3A = arith.constant 2 : i32
        %ge3A_167 = arith.cmpi sge, %add3A_129, %ge3A : i32
        %convert_element_type3A_168 = arith.extui %ge3A_167 : i1 to i32
        %cond3A_169 = arith.constant 0 : i32
        %cond3A_170 = arith.cmpi ne, %convert_element_type3A_168, %cond3A_169 : i32
        scf.if %cond3A_170 {
          %sub3A = arith.constant 2 : i32
          %sub3A_189 = arith.subi %add3A_129, %sub3A : i32
          %mul3A_190 = arith.constant 8 : i32
          %mul3A_191 = arith.muli %sub3A_189, %mul3A_190 : i32
          %add3A_192 = arith.addi %mul3A_4, %mul3A_191 : i32
          %dma_wait3A_193 = arith.constant 1 : i32
          %dma_wait3A_194 = arith.constant 0 : i32
          %dma_wait3A_195 = arith.constant 0 : i32
          %dma_wait3A_196 = tpu.memref_slice %arg8[%dma_wait3A_193, %dma_wait3A_194, %dma_wait3A_195] : memref<2x8x2048xf32, #tpu.memory_space<vmem>> -> memref<1x8x2048xf32, #tpu.memory_space<vmem>>
          %dma_wait3A_197 = tpu.memref_squeeze %dma_wait3A_196 : memref<1x8x2048xf32, #tpu.memory_space<vmem>> -> memref<8x2048xf32, #tpu.memory_space<vmem>>
          %dma_wait3A_198 = arith.constant 0 : i32
          %dma_wait3A_199 = tpu.memref_slice %arg5[%add3A_192, %dma_wait3A_198] : memref<32768x2048xf32, #tpu.memory_space<hbm>> -> memref<8x2048xf32, #tpu.memory_space<hbm>>
          %dma_wait3A_200 = arith.constant 0 : i32
          %dma_wait3A_201 = tpu.memref_slice %arg5[%add3A_192, %dma_wait3A_200] : memref<32768x2048xf32, #tpu.memory_space<hbm>> -> memref<8x2048xf32, #tpu.memory_space<hbm>>
          %dma_wait3A_202 = arith.constant 0 : i32
          %dma_wait3A_203 = arith.constant 0 : i32
          %dma_wait3A_204 = tpu.memref_slice %arg8[%dma_wait3A_193, %dma_wait3A_202, %dma_wait3A_203] : memref<2x8x2048xf32, #tpu.memory_space<vmem>> -> memref<1x8x2048xf32, #tpu.memory_space<vmem>>
          %dma_wait3A_205 = tpu.memref_squeeze %dma_wait3A_204 : memref<1x8x2048xf32, #tpu.memory_space<vmem>> -> memref<8x2048xf32, #tpu.memory_space<vmem>>
          tpu.wait_dma2 semaphore(%arg15 : memref<!tpu.dma_semaphore, #tpu.memory_space<semaphore_mem>>) src(%dma_wait3A_205 : memref<8x2048xf32, #tpu.memory_space<vmem>>) dst(%dma_wait3A_201 : memref<8x2048xf32, #tpu.memory_space<hbm>>)
        } else {
        }
        %parallel_loop3A = arith.constant 0 : i32
        %parallel_loop3A_171 = arith.constant 1024 : i32
        %parallel_loop3A_172 = arith.constant 1 : i32
        scf.for %parallel_loop3A_189 = %parallel_loop3A to %parallel_loop3A_171 step %parallel_loop3A_172  : i32 {
          %parallel_loop3A_190 = arith.constant 7 : i32
          %parallel_loop3A_191 = arith.shrsi %parallel_loop3A_189, %parallel_loop3A_190 : i32
          %parallel_loop3A_192 = arith.constant 127 : i32
          %parallel_loop3A_193 = arith.andi %parallel_loop3A_189, %parallel_loop3A_192 : i32
          %parallel_loop3A_194 = arith.constant 16 : i32
          %parallel_loop3A_195 = arith.muli %parallel_loop3A_193, %parallel_loop3A_194 : i32
          %parallel_loop3A_196 = arith.constant 2 : i32
          %parallel_loop3A_197 = arith.index_cast %parallel_loop3A_196 : i32 to index
          %parallel_loop3A_198 = arith.index_cast %parallel_loop3A_191 : i32 to index
          %parallel_loop3A_199 = arith.index_cast %parallel_loop3A_195 : i32 to index
          %parallel_loop3A_200 = tpu.vector_load %arg7[%parallel_loop3A_197, %parallel_loop3A_198, %parallel_loop3A_199] {strides = array<i32>} : memref<5x8x2048xf32, #tpu.memory_space<vmem>>, vector<1x1x16xf32>,
          %parallel_loop3A_201 = vector.shape_cast %parallel_loop3A_200 : vector<1x1x16xf32> to vector<16xf32>
          %parallel_loop3A_202 = vector.broadcast %squeeze3A : f32 to vector<16xf32>
          %parallel_loop3A_203 = arith.mulf %parallel_loop3A_201, %parallel_loop3A_202 : vector<16xf32>
          %parallel_loop3A_204 = arith.constant 1 : i32
          %parallel_loop3A_205 = arith.index_cast %parallel_loop3A_204 : i32 to index
          %parallel_loop3A_206 = arith.index_cast %parallel_loop3A_191 : i32 to index
          %parallel_loop3A_207 = arith.index_cast %parallel_loop3A_195 : i32 to index
          %parallel_loop3A_208 = tpu.vector_load %arg8[%parallel_loop3A_205, %parallel_loop3A_206, %parallel_loop3A_207] {strides = array<i32>} : memref<2x8x2048xf32, #tpu.memory_space<vmem>>, vector<1x1x16xf32>,
          %parallel_loop3A_209 = vector.shape_cast %parallel_loop3A_208 : vector<1x1x16xf32> to vector<16xf32>
          %parallel_loop3A_210 = vector.shape_cast %parallel_loop3A_203 : vector<16xf32> to vector<1x1x16xf32>
          tpu.vector_store %arg8[%parallel_loop3A_205, %parallel_loop3A_206, %parallel_loop3A_207], %parallel_loop3A_210 {strides = array<i32>} : memref<2x8x2048xf32, #tpu.memory_space<vmem>>, vector<1x1x16xf32>,
        } {sc.loop_unroll_factor = 8 : i64, sc.parallel_access}
        %mul3A_173 = arith.constant 8 : i32
        %mul3A_174 = arith.muli %add3A_129, %mul3A_173 : i32
        %add3A_175 = arith.addi %mul3A_4, %mul3A_174 : i32
        %dma_start3A_176 = arith.constant 1 : i32
        %dma_start3A_177 = arith.constant 0 : i32
        %dma_start3A_178 = arith.constant 0 : i32
        %dma_start3A_179 = tpu.memref_slice %arg8[%dma_start3A_176, %dma_start3A_177, %dma_start3A_178] : memref<2x8x2048xf32, #tpu.memory_space<vmem>> -> memref<1x8x2048xf32, #tpu.memory_space<vmem>>
        %dma_start3A_180 = tpu.memref_squeeze %dma_start3A_179 : memref<1x8x2048xf32, #tpu.memory_space<vmem>> -> memref<8x2048xf32, #tpu.memory_space<vmem>>
        %dma_start3A_181 = arith.constant 0 : i32
        %dma_start3A_182 = tpu.memref_slice %arg5[%add3A_175, %dma_start3A_181] : memref<32768x2048xf32, #tpu.memory_space<hbm>> -> memref<8x2048xf32, #tpu.memory_space<hbm>>
        %dma_start3A_183 = arith.constant 0 : i32
        %dma_start3A_184 = tpu.memref_slice %arg5[%add3A_175, %dma_start3A_183] : memref<32768x2048xf32, #tpu.memory_space<hbm>> -> memref<8x2048xf32, #tpu.memory_space<hbm>>
        %dma_start3A_185 = arith.constant 0 : i32
        %dma_start3A_186 = arith.constant 0 : i32
        %dma_start3A_187 = tpu.memref_slice %arg8[%dma_start3A_176, %dma_start3A_185, %dma_start3A_186] : memref<2x8x2048xf32, #tpu.memory_space<vmem>> -> memref<1x8x2048xf32, #tpu.memory_space<vmem>>
        %dma_start3A_188 = tpu.memref_squeeze %dma_start3A_187 : memref<1x8x2048xf32, #tpu.memory_space<vmem>> -> memref<8x2048xf32, #tpu.memory_space<vmem>>
        tpu.enqueue_dma source(%dma_start3A_188 : memref<8x2048xf32, #tpu.memory_space<vmem>>) target(%dma_start3A_184 : memref<8x2048xf32, #tpu.memory_space<hbm>>) target_semaphore(%arg15 : memref<!tpu.dma_semaphore, #tpu.memory_space<semaphore_mem>>)
      } else {
      }
      %add3A_135 = arith.constant 8 : i32
      %add3A_136 = arith.addi %add3A_81, %add3A_135 : i32
      %lt3A_137 = arith.constant 128 : i32
      %lt3A_138 = arith.cmpi slt, %add3A_136, %lt3A_137 : i32
      %convert_element_type3A_139 = arith.extui %lt3A_138 : i1 to i32
      %cond3A_140 = arith.constant 0 : i32
      %cond3A_141 = arith.cmpi ne, %convert_element_type3A_139, %cond3A_140 : i32
      scf.if %cond3A_141 {
        %add3A_149 = arith.constant 4 : i32
        %add3A_150 = arith.addi %add3A_136, %add3A_149 : i32
        %lt3A_151 = arith.constant 128 : i32
        %lt3A_152 = arith.cmpi slt, %add3A_150, %lt3A_151 : i32
        %convert_element_type3A_153 = arith.extui %lt3A_152 : i1 to i32
        %cond3A_154 = arith.constant 0 : i32
        %cond3A_155 = arith.cmpi ne, %convert_element_type3A_153, %cond3A_154 : i32
        scf.if %cond3A_155 {
          %mul3A_189 = arith.constant 8 : i32
          %mul3A_190 = arith.muli %add3A_150, %mul3A_189 : i32
          %dma_start3A_191 = arith.constant 2 : i32
          %dma_start3A_192 = arith.constant 0 : i32
          %dma_start3A_193 = arith.constant 0 : i32
          %dma_start3A_194 = tpu.memref_slice %arg7[%dma_start3A_191, %dma_start3A_192, %dma_start3A_193] : memref<5x8x2048xf32, #tpu.memory_space<vmem>> -> memref<1x8x2048xf32, #tpu.memory_space<vmem>>
          %dma_start3A_195 = tpu.memref_squeeze %dma_start3A_194 : memref<1x8x2048xf32, #tpu.memory_space<vmem>> -> memref<8x2048xf32, #tpu.memory_space<vmem>>
          %dma_start3A_196 = tpu.memref_slice %arg6[%mul3A_190] : memref<1024xi32, #tpu.memory_space<vmem>> -> memref<8xi32, #tpu.memory_space<vmem>>
          %dma_start3A_197 = arith.constant 0 : i32
          %dma_start3A_198 = arith.constant 0 : i32
          %dma_start3A_199 = tpu.memref_slice %arg3[%dma_start3A_197, %dma_start3A_198] : memref<100000x2048xf32, #tpu.memory_space<hbm>> -> memref<100000x2048xf32, #tpu.memory_space<hbm>>
          tpu.enqueue_indirect_dma source(%dma_start3A_199 : memref<100000x2048xf32, #tpu.memory_space<hbm>>) target(%dma_start3A_195 : memref<8x2048xf32, #tpu.memory_space<vmem>>) offsets(%dma_start3A_196 : memref<8xi32, #tpu.memory_space<vmem>>) semaphore(%arg11 : memref<!tpu.dma_semaphore, #tpu.memory_space<semaphore_mem>>)
        } else {
        }
        %mul3A_156 = arith.constant 8 : i32
        %mul3A_157 = arith.muli %add3A_136, %mul3A_156 : i32
        %dma_wait3A_158 = arith.constant 3 : i32
        %dma_wait3A_159 = arith.constant 0 : i32
        %dma_wait3A_160 = arith.constant 0 : i32
        %dma_wait3A_161 = tpu.memref_slice %arg7[%dma_wait3A_158, %dma_wait3A_159, %dma_wait3A_160] : memref<5x8x2048xf32, #tpu.memory_space<vmem>> -> memref<1x8x2048xf32, #tpu.memory_space<vmem>>
        %dma_wait3A_162 = tpu.memref_squeeze %dma_wait3A_161 : memref<1x8x2048xf32, #tpu.memory_space<vmem>> -> memref<8x2048xf32, #tpu.memory_space<vmem>>
        %dma_wait3A_163 = tpu.memref_slice %arg6[%mul3A_157] : memref<1024xi32, #tpu.memory_space<vmem>> -> memref<8xi32, #tpu.memory_space<vmem>>
        %dma_wait3A_164 = arith.constant 0 : i32
        %dma_wait3A_165 = arith.constant 0 : i32
        %dma_wait3A_166 = tpu.memref_slice %arg3[%dma_wait3A_164, %dma_wait3A_165] : memref<100000x2048xf32, #tpu.memory_space<hbm>> -> memref<100000x2048xf32, #tpu.memory_space<hbm>>
        tpu.wait_indirect_dma semaphore(%arg12 : memref<!tpu.dma_semaphore, #tpu.memory_space<semaphore_mem>>) src(%dma_wait3A_166 : memref<100000x2048xf32, #tpu.memory_space<hbm>>) dst(%dma_wait3A_162 : memref<8x2048xf32, #tpu.memory_space<vmem>>)
        %ge3A = arith.constant 2 : i32
        %ge3A_167 = arith.cmpi sge, %add3A_136, %ge3A : i32
        %convert_element_type3A_168 = arith.extui %ge3A_167 : i1 to i32
        %cond3A_169 = arith.constant 0 : i32
        %cond3A_170 = arith.cmpi ne, %convert_element_type3A_168, %cond3A_169 : i32
        scf.if %cond3A_170 {
          %sub3A = arith.constant 2 : i32
          %sub3A_189 = arith.subi %add3A_136, %sub3A : i32
          %mul3A_190 = arith.constant 8 : i32
          %mul3A_191 = arith.muli %sub3A_189, %mul3A_190 : i32
          %add3A_192 = arith.addi %mul3A_4, %mul3A_191 : i32
          %dma_wait3A_193 = arith.constant 0 : i32
          %dma_wait3A_194 = arith.constant 0 : i32
          %dma_wait3A_195 = arith.constant 0 : i32
          %dma_wait3A_196 = tpu.memref_slice %arg8[%dma_wait3A_193, %dma_wait3A_194, %dma_wait3A_195] : memref<2x8x2048xf32, #tpu.memory_space<vmem>> -> memref<1x8x2048xf32, #tpu.memory_space<vmem>>
          %dma_wait3A_197 = tpu.memref_squeeze %dma_wait3A_196 : memref<1x8x2048xf32, #tpu.memory_space<vmem>> -> memref<8x2048xf32, #tpu.memory_space<vmem>>
          %dma_wait3A_198 = arith.constant 0 : i32
          %dma_wait3A_199 = tpu.memref_slice %arg5[%add3A_192, %dma_wait3A_198] : memref<32768x2048xf32, #tpu.memory_space<hbm>> -> memref<8x2048xf32, #tpu.memory_space<hbm>>
          %dma_wait3A_200 = arith.constant 0 : i32
          %dma_wait3A_201 = tpu.memref_slice %arg5[%add3A_192, %dma_wait3A_200] : memref<32768x2048xf32, #tpu.memory_space<hbm>> -> memref<8x2048xf32, #tpu.memory_space<hbm>>
          %dma_wait3A_202 = arith.constant 0 : i32
          %dma_wait3A_203 = arith.constant 0 : i32
          %dma_wait3A_204 = tpu.memref_slice %arg8[%dma_wait3A_193, %dma_wait3A_202, %dma_wait3A_203] : memref<2x8x2048xf32, #tpu.memory_space<vmem>> -> memref<1x8x2048xf32, #tpu.memory_space<vmem>>
          %dma_wait3A_205 = tpu.memref_squeeze %dma_wait3A_204 : memref<1x8x2048xf32, #tpu.memory_space<vmem>> -> memref<8x2048xf32, #tpu.memory_space<vmem>>
          tpu.wait_dma2 semaphore(%arg14 : memref<!tpu.dma_semaphore, #tpu.memory_space<semaphore_mem>>) src(%dma_wait3A_205 : memref<8x2048xf32, #tpu.memory_space<vmem>>) dst(%dma_wait3A_201 : memref<8x2048xf32, #tpu.memory_space<hbm>>)
        } else {
        }
        %parallel_loop3A = arith.constant 0 : i32
        %parallel_loop3A_171 = arith.constant 1024 : i32
        %parallel_loop3A_172 = arith.constant 1 : i32
        scf.for %parallel_loop3A_189 = %parallel_loop3A to %parallel_loop3A_171 step %parallel_loop3A_172  : i32 {
          %parallel_loop3A_190 = arith.constant 7 : i32
          %parallel_loop3A_191 = arith.shrsi %parallel_loop3A_189, %parallel_loop3A_190 : i32
          %parallel_loop3A_192 = arith.constant 127 : i32
          %parallel_loop3A_193 = arith.andi %parallel_loop3A_189, %parallel_loop3A_192 : i32
          %parallel_loop3A_194 = arith.constant 16 : i32
          %parallel_loop3A_195 = arith.muli %parallel_loop3A_193, %parallel_loop3A_194 : i32
          %parallel_loop3A_196 = arith.constant 3 : i32
          %parallel_loop3A_197 = arith.index_cast %parallel_loop3A_196 : i32 to index
          %parallel_loop3A_198 = arith.index_cast %parallel_loop3A_191 : i32 to index
          %parallel_loop3A_199 = arith.index_cast %parallel_loop3A_195 : i32 to index
          %parallel_loop3A_200 = tpu.vector_load %arg7[%parallel_loop3A_197, %parallel_loop3A_198, %parallel_loop3A_199] {strides = array<i32>} : memref<5x8x2048xf32, #tpu.memory_space<vmem>>, vector<1x1x16xf32>,
          %parallel_loop3A_201 = vector.shape_cast %parallel_loop3A_200 : vector<1x1x16xf32> to vector<16xf32>
          %parallel_loop3A_202 = vector.broadcast %squeeze3A : f32 to vector<16xf32>
          %parallel_loop3A_203 = arith.mulf %parallel_loop3A_201, %parallel_loop3A_202 : vector<16xf32>
          %parallel_loop3A_204 = arith.constant 0 : i32
          %parallel_loop3A_205 = arith.index_cast %parallel_loop3A_204 : i32 to index
          %parallel_loop3A_206 = arith.index_cast %parallel_loop3A_191 : i32 to index
          %parallel_loop3A_207 = arith.index_cast %parallel_loop3A_195 : i32 to index
          %parallel_loop3A_208 = tpu.vector_load %arg8[%parallel_loop3A_205, %parallel_loop3A_206, %parallel_loop3A_207] {strides = array<i32>} : memref<2x8x2048xf32, #tpu.memory_space<vmem>>, vector<1x1x16xf32>,
          %parallel_loop3A_209 = vector.shape_cast %parallel_loop3A_208 : vector<1x1x16xf32> to vector<16xf32>
          %parallel_loop3A_210 = vector.shape_cast %parallel_loop3A_203 : vector<16xf32> to vector<1x1x16xf32>
          tpu.vector_store %arg8[%parallel_loop3A_205, %parallel_loop3A_206, %parallel_loop3A_207], %parallel_loop3A_210 {strides = array<i32>} : memref<2x8x2048xf32, #tpu.memory_space<vmem>>, vector<1x1x16xf32>,
        } {sc.loop_unroll_factor = 8 : i64, sc.parallel_access}
        %mul3A_173 = arith.constant 8 : i32
        %mul3A_174 = arith.muli %add3A_136, %mul3A_173 : i32
        %add3A_175 = arith.addi %mul3A_4, %mul3A_174 : i32
        %dma_start3A_176 = arith.constant 0 : i32
        %dma_start3A_177 = arith.constant 0 : i32
        %dma_start3A_178 = arith.constant 0 : i32
        %dma_start3A_179 = tpu.memref_slice %arg8[%dma_start3A_176, %dma_start3A_177, %dma_start3A_178] : memref<2x8x2048xf32, #tpu.memory_space<vmem>> -> memref<1x8x2048xf32, #tpu.memory_space<vmem>>
        %dma_start3A_180 = tpu.memref_squeeze %dma_start3A_179 : memref<1x8x2048xf32, #tpu.memory_space<vmem>> -> memref<8x2048xf32, #tpu.memory_space<vmem>>
        %dma_start3A_181 = arith.constant 0 : i32
        %dma_start3A_182 = tpu.memref_slice %arg5[%add3A_175, %dma_start3A_181] : memref<32768x2048xf32, #tpu.memory_space<hbm>> -> memref<8x2048xf32, #tpu.memory_space<hbm>>
        %dma_start3A_183 = arith.constant 0 : i32
        %dma_start3A_184 = tpu.memref_slice %arg5[%add3A_175, %dma_start3A_183] : memref<32768x2048xf32, #tpu.memory_space<hbm>> -> memref<8x2048xf32, #tpu.memory_space<hbm>>
        %dma_start3A_185 = arith.constant 0 : i32
        %dma_start3A_186 = arith.constant 0 : i32
        %dma_start3A_187 = tpu.memref_slice %arg8[%dma_start3A_176, %dma_start3A_185, %dma_start3A_186] : memref<2x8x2048xf32, #tpu.memory_space<vmem>> -> memref<1x8x2048xf32, #tpu.memory_space<vmem>>
        %dma_start3A_188 = tpu.memref_squeeze %dma_start3A_187 : memref<1x8x2048xf32, #tpu.memory_space<vmem>> -> memref<8x2048xf32, #tpu.memory_space<vmem>>
        tpu.enqueue_dma source(%dma_start3A_188 : memref<8x2048xf32, #tpu.memory_space<vmem>>) target(%dma_start3A_184 : memref<8x2048xf32, #tpu.memory_space<hbm>>) target_semaphore(%arg14 : memref<!tpu.dma_semaphore, #tpu.memory_space<semaphore_mem>>)
      } else {
      }
      %add3A_142 = arith.constant 9 : i32
      %add3A_143 = arith.addi %add3A_81, %add3A_142 : i32
      %lt3A_144 = arith.constant 128 : i32
      %lt3A_145 = arith.cmpi slt, %add3A_143, %lt3A_144 : i32
      %convert_element_type3A_146 = arith.extui %lt3A_145 : i1 to i32
      %cond3A_147 = arith.constant 0 : i32
      %cond3A_148 = arith.cmpi ne, %convert_element_type3A_146, %cond3A_147 : i32
      scf.if %cond3A_148 {
        %add3A_149 = arith.constant 4 : i32
        %add3A_150 = arith.addi %add3A_143, %add3A_149 : i32
        %lt3A_151 = arith.constant 128 : i32
        %lt3A_152 = arith.cmpi slt, %add3A_150, %lt3A_151 : i32
        %convert_element_type3A_153 = arith.extui %lt3A_152 : i1 to i32
        %cond3A_154 = arith.constant 0 : i32
        %cond3A_155 = arith.cmpi ne, %convert_element_type3A_153, %cond3A_154 : i32
        scf.if %cond3A_155 {
          %mul3A_189 = arith.constant 8 : i32
          %mul3A_190 = arith.muli %add3A_150, %mul3A_189 : i32
          %dma_start3A_191 = arith.constant 3 : i32
          %dma_start3A_192 = arith.constant 0 : i32
          %dma_start3A_193 = arith.constant 0 : i32
          %dma_start3A_194 = tpu.memref_slice %arg7[%dma_start3A_191, %dma_start3A_192, %dma_start3A_193] : memref<5x8x2048xf32, #tpu.memory_space<vmem>> -> memref<1x8x2048xf32, #tpu.memory_space<vmem>>
          %dma_start3A_195 = tpu.memref_squeeze %dma_start3A_194 : memref<1x8x2048xf32, #tpu.memory_space<vmem>> -> memref<8x2048xf32, #tpu.memory_space<vmem>>
          %dma_start3A_196 = tpu.memref_slice %arg6[%mul3A_190] : memref<1024xi32, #tpu.memory_space<vmem>> -> memref<8xi32, #tpu.memory_space<vmem>>
          %dma_start3A_197 = arith.constant 0 : i32
          %dma_start3A_198 = arith.constant 0 : i32
          %dma_start3A_199 = tpu.memref_slice %arg3[%dma_start3A_197, %dma_start3A_198] : memref<100000x2048xf32, #tpu.memory_space<hbm>> -> memref<100000x2048xf32, #tpu.memory_space<hbm>>
          tpu.enqueue_indirect_dma source(%dma_start3A_199 : memref<100000x2048xf32, #tpu.memory_space<hbm>>) target(%dma_start3A_195 : memref<8x2048xf32, #tpu.memory_space<vmem>>) offsets(%dma_start3A_196 : memref<8xi32, #tpu.memory_space<vmem>>) semaphore(%arg12 : memref<!tpu.dma_semaphore, #tpu.memory_space<semaphore_mem>>)
        } else {
        }
        %mul3A_156 = arith.constant 8 : i32
        %mul3A_157 = arith.muli %add3A_143, %mul3A_156 : i32
        %dma_wait3A_158 = arith.constant 4 : i32
        %dma_wait3A_159 = arith.constant 0 : i32
        %dma_wait3A_160 = arith.constant 0 : i32
        %dma_wait3A_161 = tpu.memref_slice %arg7[%dma_wait3A_158, %dma_wait3A_159, %dma_wait3A_160] : memref<5x8x2048xf32, #tpu.memory_space<vmem>> -> memref<1x8x2048xf32, #tpu.memory_space<vmem>>
        %dma_wait3A_162 = tpu.memref_squeeze %dma_wait3A_161 : memref<1x8x2048xf32, #tpu.memory_space<vmem>> -> memref<8x2048xf32, #tpu.memory_space<vmem>>
        %dma_wait3A_163 = tpu.memref_slice %arg6[%mul3A_157] : memref<1024xi32, #tpu.memory_space<vmem>> -> memref<8xi32, #tpu.memory_space<vmem>>
        %dma_wait3A_164 = arith.constant 0 : i32
        %dma_wait3A_165 = arith.constant 0 : i32
        %dma_wait3A_166 = tpu.memref_slice %arg3[%dma_wait3A_164, %dma_wait3A_165] : memref<100000x2048xf32, #tpu.memory_space<hbm>> -> memref<100000x2048xf32, #tpu.memory_space<hbm>>
        tpu.wait_indirect_dma semaphore(%arg13 : memref<!tpu.dma_semaphore, #tpu.memory_space<semaphore_mem>>) src(%dma_wait3A_166 : memref<100000x2048xf32, #tpu.memory_space<hbm>>) dst(%dma_wait3A_162 : memref<8x2048xf32, #tpu.memory_space<vmem>>)
        %ge3A = arith.constant 2 : i32
        %ge3A_167 = arith.cmpi sge, %add3A_143, %ge3A : i32
        %convert_element_type3A_168 = arith.extui %ge3A_167 : i1 to i32
        %cond3A_169 = arith.constant 0 : i32
        %cond3A_170 = arith.cmpi ne, %convert_element_type3A_168, %cond3A_169 : i32
        scf.if %cond3A_170 {
          %sub3A = arith.constant 2 : i32
          %sub3A_189 = arith.subi %add3A_143, %sub3A : i32
          %mul3A_190 = arith.constant 8 : i32
          %mul3A_191 = arith.muli %sub3A_189, %mul3A_190 : i32
          %add3A_192 = arith.addi %mul3A_4, %mul3A_191 : i32
          %dma_wait3A_193 = arith.constant 1 : i32
          %dma_wait3A_194 = arith.constant 0 : i32
          %dma_wait3A_195 = arith.constant 0 : i32
          %dma_wait3A_196 = tpu.memref_slice %arg8[%dma_wait3A_193, %dma_wait3A_194, %dma_wait3A_195] : memref<2x8x2048xf32, #tpu.memory_space<vmem>> -> memref<1x8x2048xf32, #tpu.memory_space<vmem>>
          %dma_wait3A_197 = tpu.memref_squeeze %dma_wait3A_196 : memref<1x8x2048xf32, #tpu.memory_space<vmem>> -> memref<8x2048xf32, #tpu.memory_space<vmem>>
          %dma_wait3A_198 = arith.constant 0 : i32
          %dma_wait3A_199 = tpu.memref_slice %arg5[%add3A_192, %dma_wait3A_198] : memref<32768x2048xf32, #tpu.memory_space<hbm>> -> memref<8x2048xf32, #tpu.memory_space<hbm>>
          %dma_wait3A_200 = arith.constant 0 : i32
          %dma_wait3A_201 = tpu.memref_slice %arg5[%add3A_192, %dma_wait3A_200] : memref<32768x2048xf32, #tpu.memory_space<hbm>> -> memref<8x2048xf32, #tpu.memory_space<hbm>>
          %dma_wait3A_202 = arith.constant 0 : i32
          %dma_wait3A_203 = arith.constant 0 : i32
          %dma_wait3A_204 = tpu.memref_slice %arg8[%dma_wait3A_193, %dma_wait3A_202, %dma_wait3A_203] : memref<2x8x2048xf32, #tpu.memory_space<vmem>> -> memref<1x8x2048xf32, #tpu.memory_space<vmem>>
          %dma_wait3A_205 = tpu.memref_squeeze %dma_wait3A_204 : memref<1x8x2048xf32, #tpu.memory_space<vmem>> -> memref<8x2048xf32, #tpu.memory_space<vmem>>
          tpu.wait_dma2 semaphore(%arg15 : memref<!tpu.dma_semaphore, #tpu.memory_space<semaphore_mem>>) src(%dma_wait3A_205 : memref<8x2048xf32, #tpu.memory_space<vmem>>) dst(%dma_wait3A_201 : memref<8x2048xf32, #tpu.memory_space<hbm>>)
        } else {
        }
        %parallel_loop3A = arith.constant 0 : i32
        %parallel_loop3A_171 = arith.constant 1024 : i32
        %parallel_loop3A_172 = arith.constant 1 : i32
        scf.for %parallel_loop3A_189 = %parallel_loop3A to %parallel_loop3A_171 step %parallel_loop3A_172  : i32 {
          %parallel_loop3A_190 = arith.constant 7 : i32
          %parallel_loop3A_191 = arith.shrsi %parallel_loop3A_189, %parallel_loop3A_190 : i32
          %parallel_loop3A_192 = arith.constant 127 : i32
          %parallel_loop3A_193 = arith.andi %parallel_loop3A_189, %parallel_loop3A_192 : i32
          %parallel_loop3A_194 = arith.constant 16 : i32
          %parallel_loop3A_195 = arith.muli %parallel_loop3A_193, %parallel_loop3A_194 : i32
          %parallel_loop3A_196 = arith.constant 4 : i32
          %parallel_loop3A_197 = arith.index_cast %parallel_loop3A_196 : i32 to index
          %parallel_loop3A_198 = arith.index_cast %parallel_loop3A_191 : i32 to index
          %parallel_loop3A_199 = arith.index_cast %parallel_loop3A_195 : i32 to index
          %parallel_loop3A_200 = tpu.vector_load %arg7[%parallel_loop3A_197, %parallel_loop3A_198, %parallel_loop3A_199] {strides = array<i32>} : memref<5x8x2048xf32, #tpu.memory_space<vmem>>, vector<1x1x16xf32>,
          %parallel_loop3A_201 = vector.shape_cast %parallel_loop3A_200 : vector<1x1x16xf32> to vector<16xf32>
          %parallel_loop3A_202 = vector.broadcast %squeeze3A : f32 to vector<16xf32>
          %parallel_loop3A_203 = arith.mulf %parallel_loop3A_201, %parallel_loop3A_202 : vector<16xf32>
          %parallel_loop3A_204 = arith.constant 1 : i32
          %parallel_loop3A_205 = arith.index_cast %parallel_loop3A_204 : i32 to index
          %parallel_loop3A_206 = arith.index_cast %parallel_loop3A_191 : i32 to index
          %parallel_loop3A_207 = arith.index_cast %parallel_loop3A_195 : i32 to index
          %parallel_loop3A_208 = tpu.vector_load %arg8[%parallel_loop3A_205, %parallel_loop3A_206, %parallel_loop3A_207] {strides = array<i32>} : memref<2x8x2048xf32, #tpu.memory_space<vmem>>, vector<1x1x16xf32>,
          %parallel_loop3A_209 = vector.shape_cast %parallel_loop3A_208 : vector<1x1x16xf32> to vector<16xf32>
          %parallel_loop3A_210 = vector.shape_cast %parallel_loop3A_203 : vector<16xf32> to vector<1x1x16xf32>
          tpu.vector_store %arg8[%parallel_loop3A_205, %parallel_loop3A_206, %parallel_loop3A_207], %parallel_loop3A_210 {strides = array<i32>} : memref<2x8x2048xf32, #tpu.memory_space<vmem>>, vector<1x1x16xf32>,
        } {sc.loop_unroll_factor = 8 : i64, sc.parallel_access}
        %mul3A_173 = arith.constant 8 : i32
        %mul3A_174 = arith.muli %add3A_143, %mul3A_173 : i32
        %add3A_175 = arith.addi %mul3A_4, %mul3A_174 : i32
        %dma_start3A_176 = arith.constant 1 : i32
        %dma_start3A_177 = arith.constant 0 : i32
        %dma_start3A_178 = arith.constant 0 : i32
        %dma_start3A_179 = tpu.memref_slice %arg8[%dma_start3A_176, %dma_start3A_177, %dma_start3A_178] : memref<2x8x2048xf32, #tpu.memory_space<vmem>> -> memref<1x8x2048xf32, #tpu.memory_space<vmem>>
        %dma_start3A_180 = tpu.memref_squeeze %dma_start3A_179 : memref<1x8x2048xf32, #tpu.memory_space<vmem>> -> memref<8x2048xf32, #tpu.memory_space<vmem>>
        %dma_start3A_181 = arith.constant 0 : i32
        %dma_start3A_182 = tpu.memref_slice %arg5[%add3A_175, %dma_start3A_181] : memref<32768x2048xf32, #tpu.memory_space<hbm>> -> memref<8x2048xf32, #tpu.memory_space<hbm>>
        %dma_start3A_183 = arith.constant 0 : i32
        %dma_start3A_184 = tpu.memref_slice %arg5[%add3A_175, %dma_start3A_183] : memref<32768x2048xf32, #tpu.memory_space<hbm>> -> memref<8x2048xf32, #tpu.memory_space<hbm>>
        %dma_start3A_185 = arith.constant 0 : i32
        %dma_start3A_186 = arith.constant 0 : i32
        %dma_start3A_187 = tpu.memref_slice %arg8[%dma_start3A_176, %dma_start3A_185, %dma_start3A_186] : memref<2x8x2048xf32, #tpu.memory_space<vmem>> -> memref<1x8x2048xf32, #tpu.memory_space<vmem>>
        %dma_start3A_188 = tpu.memref_squeeze %dma_start3A_187 : memref<1x8x2048xf32, #tpu.memory_space<vmem>> -> memref<8x2048xf32, #tpu.memory_space<vmem>>
        tpu.enqueue_dma source(%dma_start3A_188 : memref<8x2048xf32, #tpu.memory_space<vmem>>) target(%dma_start3A_184 : memref<8x2048xf32, #tpu.memory_space<hbm>>) target_semaphore(%arg15 : memref<!tpu.dma_semaphore, #tpu.memory_space<semaphore_mem>>)
      } else {
      }
    }
    %scan3A_47 = arith.constant 13 : i32
    %add3A_48 = arith.constant 1008 : i32
    %add3A_49 = arith.addi %mul3A_4, %add3A_48 : i32
    %dma_wait3A = arith.constant 0 : i32
    %dma_wait3A_50 = arith.constant 0 : i32
    %dma_wait3A_51 = arith.constant 0 : i32
    %dma_wait3A_52 = tpu.memref_slice %arg8[%dma_wait3A, %dma_wait3A_50, %dma_wait3A_51] : memref<2x8x2048xf32, #tpu.memory_space<vmem>> -> memref<1x8x2048xf32, #tpu.memory_space<vmem>>
    %dma_wait3A_53 = tpu.memref_squeeze %dma_wait3A_52 : memref<1x8x2048xf32, #tpu.memory_space<vmem>> -> memref<8x2048xf32, #tpu.memory_space<vmem>>
    %dma_wait3A_54 = arith.constant 0 : i32
    %dma_wait3A_55 = tpu.memref_slice %arg5[%add3A_49, %dma_wait3A_54] : memref<32768x2048xf32, #tpu.memory_space<hbm>> -> memref<8x2048xf32, #tpu.memory_space<hbm>>
    %dma_wait3A_56 = arith.constant 0 : i32
    %dma_wait3A_57 = tpu.memref_slice %arg5[%add3A_49, %dma_wait3A_56] : memref<32768x2048xf32, #tpu.memory_space<hbm>> -> memref<8x2048xf32, #tpu.memory_space<hbm>>
    %dma_wait3A_58 = arith.constant 0 : i32
    %dma_wait3A_59 = arith.constant 0 : i32
    %dma_wait3A_60 = tpu.memref_slice %arg8[%dma_wait3A, %dma_wait3A_58, %dma_wait3A_59] : memref<2x8x2048xf32, #tpu.memory_space<vmem>> -> memref<1x8x2048xf32, #tpu.memory_space<vmem>>
    %dma_wait3A_61 = tpu.memref_squeeze %dma_wait3A_60 : memref<1x8x2048xf32, #tpu.memory_space<vmem>> -> memref<8x2048xf32, #tpu.memory_space<vmem>>
    tpu.wait_dma2 semaphore(%arg14 : memref<!tpu.dma_semaphore, #tpu.memory_space<semaphore_mem>>) src(%dma_wait3A_61 : memref<8x2048xf32, #tpu.memory_space<vmem>>) dst(%dma_wait3A_57 : memref<8x2048xf32, #tpu.memory_space<hbm>>)
    %add3A_62 = arith.constant 1016 : i32
    %add3A_63 = arith.addi %mul3A_4, %add3A_62 : i32
    %dma_wait3A_64 = arith.constant 1 : i32
    %dma_wait3A_65 = arith.constant 0 : i32
    %dma_wait3A_66 = arith.constant 0 : i32
    %dma_wait3A_67 = tpu.memref_slice %arg8[%dma_wait3A_64, %dma_wait3A_65, %dma_wait3A_66] : memref<2x8x2048xf32, #tpu.memory_space<vmem>> -> memref<1x8x2048xf32, #tpu.memory_space<vmem>>
    %dma_wait3A_68 = tpu.memref_squeeze %dma_wait3A_67 : memref<1x8x2048xf32, #tpu.memory_space<vmem>> -> memref<8x2048xf32, #tpu.memory_space<vmem>>
    %dma_wait3A_69 = arith.constant 0 : i32
    %dma_wait3A_70 = tpu.memref_slice %arg5[%add3A_63, %dma_wait3A_69] : memref<32768x2048xf32, #tpu.memory_space<hbm>> -> memref<8x2048xf32, #tpu.memory_space<hbm>>
    %dma_wait3A_71 = arith.constant 0 : i32
    %dma_wait3A_72 = tpu.memref_slice %arg5[%add3A_63, %dma_wait3A_71] : memref<32768x2048xf32, #tpu.memory_space<hbm>> -> memref<8x2048xf32, #tpu.memory_space<hbm>>
    %dma_wait3A_73 = arith.constant 0 : i32
    %dma_wait3A_74 = arith.constant 0 : i32
    %dma_wait3A_75 = tpu.memref_slice %arg8[%dma_wait3A_64, %dma_wait3A_73, %dma_wait3A_74] : memref<2x8x2048xf32, #tpu.memory_space<vmem>> -> memref<1x8x2048xf32, #tpu.memory_space<vmem>>
    %dma_wait3A_76 = tpu.memref_squeeze %dma_wait3A_75 : memref<1x8x2048xf32, #tpu.memory_space<vmem>> -> memref<8x2048xf32, #tpu.memory_space<vmem>>
    tpu.wait_dma2 semaphore(%arg15 : memref<!tpu.dma_semaphore, #tpu.memory_space<semaphore_mem>>) src(%dma_wait3A_76 : memref<8x2048xf32, #tpu.memory_space<vmem>>) dst(%dma_wait3A_72 : memref<8x2048xf32, #tpu.memory_space<hbm>>)
    return
  }
}

</mosaic_0001>

<sc_bundles>
// kernel: kernel.3.cloned.1.call-start
scs
__scs_entry_jumppad:
0x0: {  	(pc) =	sbr.rel $0x88, $3  }
0x1: {  	(tag) =	ssettag $0x0;
	lr =	simm.s32 $0x1  }
0x2: {  	[smem:$0x3F9F] =	sst lr;
	_ =	strace $0xD0000000  }
0x3: {  	_ = 	snop  }
0x4: {  	_ = 	snop  }
0x5: {  	_ = 	snop  }
0x6: {  	_ = 	snop  }
0x7: {  	_ = 	snop  }
__scs_overlays_trampoline_lowered:
0x8: {  	[smem:$0x3FAE] =	sst s0  }
0x9: {  	[smem:$0x3FAF] =	sst s1  }
0xa: {  	[smem:$0x3FB0] =	sst s2  }
0xb: {  	[smem:$0x3FB1] =	sst s3  }
0xc: {  	[smem:$0x3FB2] =	sst s4  }
0xd: {  	[smem:$0x3FB3] =	sst s5  }
0xe: {  	[smem:$0x3FB4] =	sst s6  }
0xf: {  	[smem:$0x3FB5] =	sst s7  }
0x10: {  	[smem:$0x3FB6] =	sst s8  }
0x11: {  	[smem:$0x3FB7] =	sst s9;
	s0 =	simm.s32 @!p0 $0x0  }
0x12: {  	s1 =	sld [smem:$0x3F9D];
	s0 =	simm.s32 @p0 $0x1  }
0x13: {  	[smem:$0x3FB8] =	sst s0;
	s0 =	simm.s32 @!p1 $0x0  }
0x14: {  	s2 =	sld [smem:$0x3F9C];
	s0 =	simm.s32 @p1 $0x1  }
0x15: {  	[smem:$0x3FB9] =	sst s0;
	s0 =	simm.s32 @!p2 $0x0  }
0x16: {  	s3 =	sld [smem:$0x3FDB];
	s0 =	simm.s32 @p2 $0x1  }
0x17: {  	s4 =	simm.s32 $0x1BF5;
	[smem:$0x3FBB] =	sst s0  }
0x18: {  	s0 =	sld [smem:$0x3F9E];
	_ =	swait.ge [sflag:s4], $0x0  }
0x19: {  	s7 =	sld [smem:$0x3F9F]  }
0x1a: {  	s8 =	sadd.s32 $0xFFFFE003, lr  }
0x1b: {  	s9 =	sadd.s32 $0xFFFFFEF7, lr;
	s5 =	simm.s32 $0xFFFFFFFF;
	p2 =	slt.u32 s8, $0xFFFFF086  }
0x1c: {  	p1 =	slt.u32 s9, $0xF7A;
	s5 =	simm.s32 @!p2 $0x0  }
0x1d: {  	s5 =	simm.s32 @p1 $0x1;
	p0 =	seq.s32 s7, s2  }
0x1e: {  	s7 =	smul.u32 @!p0 $0xF7A, s2;
	p2 =	seq.s32 @!p0 s5, $0x0  }
0x1f: {  	s9 =	smul.u32 $0xF7A, s1;
	s8 =	simm.s32 @!p0 $0x1BF5;
	p2 =	por !p2, p0  }
0x20: {  	[sflag:s8] =	ssyncset.s32 @!p0 $0xFFFFF086;
	s6 =	sadd.s32 @!p0 s3, s7;
	s7 =	simm.s32 @!p0 $0x108  }
0x21: {  	s3 =	sadd.s32 s3, s9;
	s6 =	sadd.s32 @!p0 $0x88, s6;
	s7 =	simm.s32 @p2 $0x1082  }
0x22: {  	[simem:s7], [sflag:s8] =	dma.local @!p0 [hbm:s6], $0xF7A  }
0x23: {  	s9 =	sor.u32 $0xD0000000, s2;
	s6 =	simm.s32 $0x108;
	_ =	swait.ge @!p0 [sflag:s8], $0x0  }
0x24: {  	s3 =	sadd.s32 $0x88, s3;
	s6 =	simm.s32 @!p1 $0x1082;
	[sflag:s4] =	ssyncset.s32 $0xFFFFF086  }
0x25: {  	[simem:s6], [sflag:s4] =	dma.local [hbm:s3], $0xF7A  }
0x26: {  	[smem:$0x3F9F] =	sst s1;
	(tag) =	ssettag s2;
	_ =	strace s9  }
0x27: {  	s1 =	sld [smem:$0x3FAF]  }
0x28: {  	s2 =	sld [smem:$0x3FB0]  }
0x29: {  	s4 =	sld [smem:$0x3FB2]  }
0x2a: {  	p0 =	seq.s32 s5, $0x0;
	s5 =	sld [smem:$0x3FB3]  }
0x2b: {  	s6 =	sld [smem:$0x3FB4]  }
0x2c: {  	s7 =	sld [smem:$0x3FB5]  }
0x2d: {  	s3 =	simm.s32 $0x108;
	s8 =	sld [smem:$0x3FB6]  }
0x2e: {  	s3 =	simm.s32 @!p0 $0x1082;
	s9 =	sld [smem:$0x3FB7]  }
0x2f: {  	lr =	sadd.s32 s0, s3;
	s0 =	sld [smem:$0x3FAE]  }
0x30: {  	s3 =	sld [smem:$0x3FB1]  }
0x31: {  	[smem:$0x3FBA] =	sst s10  }
0x32: {  	s10 =	sld [smem:$0x3FB8];
	_ =	sdelay $0x3  }
0x33: {  	p0 =	seq.s32 s10, $0x1;
	s10 =	sld [smem:$0x3FBA];
	_ =	sdelay $0x3  }
0x34: {  	[smem:$0x3FBA] =	sst s10  }
0x35: {  	s10 =	sld [smem:$0x3FB9];
	_ =	sdelay $0x3  }
0x36: {  	p1 =	seq.s32 s10, $0x1;
	s10 =	sld [smem:$0x3FBA];
	_ =	sdelay $0x3  }
0x37: {  	[smem:$0x3FBA] =	sst s10  }
0x38: {  	s10 =	sld [smem:$0x3FBB]  }
0x39: {  	_ = 	snop;
	(pc) =	sbr.ind lr, $3  }
0x3a: {  	_ = 	snop  }
0x3b: {  	_ = 	snop  }
0x3c: {  	p2 =	seq.s32 s10, $0x1;
	s10 =	sld [smem:$0x3FBA]  }
0x3d: {  	_ =	shalt  }
0x3e: {  	_ =	shalt  }
0x3f: {  	_ =	shalt  }
0x40: {  	_ =	shalt  }
0x41: {  	_ =	shalt  }
0x42: {  	_ =	shalt  }
0x43: {  	_ =	shalt  }
0x44: {  	_ =	shalt  }
0x45: {  	_ =	shalt  }
0x46: {  	_ =	shalt  }
0x47: {  	_ =	shalt  }
0x48: {  	_ =	shalt  }
0x49: {  	_ =	shalt  }
0x4a: {  	_ =	shalt  }
0x4b: {  	_ =	shalt  }
0x4c: {  	_ =	shalt  }
0x4d: {  	_ =	shalt  }
0x4e: {  	_ =	shalt  }
0x4f: {  	_ =	shalt  }
0x50: {  	_ =	shalt  }
0x51: {  	_ =	shalt  }
0x52: {  	_ =	shalt  }
0x53: {  	_ =	shalt  }
0x54: {  	_ =	shalt  }
0x55: {  	_ =	shalt  }
0x56: {  	_ =	shalt  }
0x57: {  	_ =	shalt  }
0x58: {  	_ =	shalt  }
0x59: {  	_ =	shalt  }
0x5a: {  	_ =	shalt  }
0x5b: {  	_ =	shalt  }
0x5c: {  	_ =	shalt  }
0x5d: {  	_ =	shalt  }
0x5e: {  	_ =	shalt  }
0x5f: {  	_ =	shalt  }
0x60: {  	_ =	shalt  }
0x61: {  	_ =	shalt  }
0x62: {  	_ =	shalt  }
0x63: {  	_ =	shalt  }
0x64: {  	_ =	shalt  }
0x65: {  	_ =	shalt  }
0x66: {  	_ =	shalt  }
0x67: {  	_ =	shalt  }
0x68: {  	_ =	shalt  }
0x69: {  	_ =	shalt  }
0x6a: {  	_ =	shalt  }
0x6b: {  	_ =	shalt  }
0x6c: {  	_ =	shalt  }
0x6d: {  	_ =	shalt  }
0x6e: {  	_ =	shalt  }
0x6f: {  	_ =	shalt  }
0x70: {  	_ =	shalt  }
0x71: {  	_ =	shalt  }
0x72: {  	_ =	shalt  }
0x73: {  	_ =	shalt  }
0x74: {  	_ =	shalt  }
0x75: {  	_ =	shalt  }
0x76: {  	_ =	shalt  }
0x77: {  	_ =	shalt  }
0x78: {  	_ =	shalt  }
0x79: {  	_ =	shalt  }
0x7a: {  	_ =	shalt  }
0x7b: {  	_ =	shalt  }
0x7c: {  	_ =	shalt  }
0x7d: {  	_ =	shalt  }
0x7e: {  	_ =	shalt  }
0x7f: {  	_ =	shalt  }
0x80: {  	_ =	shalt  }
0x81: {  	_ =	shalt  }
0x82: {  	_ =	shalt  }
0x83: {  	_ =	shalt  }
0x84: {  	_ =	shalt  }
0x85: {  	_ =	shalt  }
0x86: {  	_ =	shalt  }
0x87: {  	_ =	shalt  }
.Lfunc_end0:
.L_simem_size_0:
called_computation_lowered:
.L_overlay_start_0:
0x88: {  	s2 =	sld [smem:$0x3FD9]  }
0x89: {  	s3 =	sld [smem:$0x3FFE];
	_ =	sdelay $0x1  }
0x8a: {  	s1 =	srdreg.scid  }
0x8b: {  	s0 =	sand.u32 $0x1, s1  }
0x8c: {  	s17 =	sshll.u32 s0, $0xA;
	s2 =	sadd.s32 s3, s2  }
0x8d: {  	s2 =	sadd.s32 s2, s17  }
0x8e: {  	[smem:$0x3FC6] =	sst s2  }
0x8f: {  	_ = 	snop  }
0x90: {  	s2 =	sld [smem:$0x3FC8]  }
0x91: {  	s18 =	sld [smem:$0x3FD0];
	(tm) =	ssettm $0x1  }
0x92: {  	s4 =	sld [smem:$0x3FFB];
	_ =	sdelay $0x3  }
0x93: {  	_ =	strace s4  }
0x94: {  	s4 =	sld [smem:$0x3FFC];
	_ =	sdelay $0x3  }
0x95: {  	_ =	strace s4  }
0x96: {  	s4 =	sld [smem:$0x3FFD];
	_ =	sdelay $0x3  }
0x97: {  	_ =	strace s4  }
0x98: {  	_ =	strace $0x8FFFFFFF  }
0x99: {  	s19 =	sld [smem:$0x3FDB];
	_ =	sdelay $0x1  }
0x9a: {  	s5 =	simm.s32 $_scs_section_size  }
0x9b: {  	s6 =	simm.s32 $_size__tile_overlayer_lowered;
	s7 =	simm.s32 $_tile_overlayer_lowered  }
0x9c: {  	s22 =	simm.s32 $0x1BFF;
	s21 =	sshll.u32 s7, $0x1;
	s4 =	sadd.s32 s5, s19  }
0x9d: {  	s8 =	simm.s32 $0x0;
	s20 =	sshll.u32 s6, $0x1;
	s6 =	sadd.s32 s21, s4  }
0x9e: {  	[timem:s8], [sflag:s22] =	dma.local [hbm:s6], s20  }
0x9f: {  	_ =	swait.ge [sflag:s22], s20  }
0xa0: {  	s5 =	ssub.s32 $0x0, s20;
	[sflag:s22] =	ssyncset.done $0x0  }
0xa1: {  	[sflag:s22] =	ssyncadd.s32 s5;
	_ =	sdelay $0x1  }
0xa2: {  	s23 =	simm.s32 $0x1B8B  }
0xa3: {  	_ =	swait.ge [sflag:s23], $0x1  }
0xa4: {  	[sflag:s23] =	ssyncset.done $0x0  }
0xa5: {  	s25 =	simm.s32 $0x1B8E;
	s24 =	sld [smem:$0x3FFE];
	[sflag:s23] =	ssyncadd.s32 $0xFFFFFFFF  }
0xa6: {  	s26 =	simm.s32 $execute0_lowered;
	[smem:$0x3FD2] =	sst s25  }
0xa7: {  	s6 =	sshll.u32 s26, $0x1;
	_ =	strace $0x80000046;
	[dreg:$0x1] =	wrdreg $0xFFFFFFFF  }
0xa8: {  	s28 =	simm.s32 $_size_execute0_lowered;
	s4 =	sadd.s32 s4, s6;
	[dreg:$0x0] =	wrdreg $0x0  }
0xa9: {  	s6 =	sshll.u32 s28, $0x1;
	[dreg:$0x2] =	wrdreg s4  }
0xaa: {  	[dreg:$0x3] =	wrdreg s6  }
0xab: {  	[dreg:$0x4] =	wrdreg $0xC0  }
0xac: {  	_ =	task [dreg:s8], $0x5FFFF  }
0xad: {  	[dreg:$0x1] =	wrdreg $0xFFFFFFFF  }
0xae: {  	[dreg:$0x0] =	wrdreg $0x60  }
0xaf: {  	[dreg:$0x2] =	wrdreg s24  }
0xb0: {  	[dreg:$0x3] =	wrdreg s2  }
0xb1: {  	[dreg:$0x4] =	wrdreg s18  }
0xb2: {  	[dreg:$0x5] =	wrdreg $0x9  }
0xb3: {  	_ =	task.clear_ibuf [dreg:s8], $0x6FFFF;
	_ =	strace $0x90000046  }
0xb4: {  	s29 =	simm.s32 $0x9;
	_ =	strace $0x80000048  }
0xb5: {  	_ =	swait.ge [sflag:s29], $0x1  }
0xb6: {  	[sflag:s29] =	ssyncadd.s32 $0xFFFFFFFF  }
0xb7: {  	_ =	strace $0x90000048  }
0xb8: {  	_ =	sfence  }
0xb9: {  	s30 =	sld [smem:$0x0];
	_ =	sdelay $0x2  }
0xba: {  	s31 =	sshll.u32 s1, $0xD;
	s1 =	sshrl.u32 s1, $0x2  }
0xbb: {  	s3 =	sand.u32 $0x4000, s31;
	s1 =	sadd.s32 s1, s30  }
0xbc: {  	s0 =	sor.u32 s3, s0;
	s1 =	sshll.u32 s1, $0x11  }
0xbd: {  	s0 =	sor.u32 s1, s0  }
0xbe: {  	s0 =	sadd.s32 $0x8F2B, s0  }
0xbf: {  	[sflag:s0] =	ssyncadd.remote.s32 $0x1  }
0xc0: {  	_ =	sfence.sel $0xFFFF  }
0xc1: {  	[dreg:$0x0] =	wrdreg $0xFFFFFFFF;
	(pc) =	sbr.abs _section_cstart, $3  }
0xc2: {  	[dreg:$0x1] =	wrdreg $0xFFFFFFFF  }
0xc3: {  	_ =	task.clear_ibuf [dreg:s8], $0x2FFFF;
	_ =	strace $0x9FFFFFFF  }
0xc4: {  	(tm) =	ssettm $0x7FFFFFFF  }
0xc5: {  	_ =	shalt  }
tec
execute0_lowered:
.L_overlay_start_1:
0x0: {  	(tag) =	ssettag $0x1  }
0x1: {  	s0 =	rddreg [dreg:$0x0]  }
0x2: {  	s1 =	srdreg.scid;
	s2 =	rddreg [dreg:$0x1]  }
0x3: {  	s4 =	stileid.u32;
	s3 =	rddreg [dreg:$0x2];
	s28 =	simm.s32 $0xB400  }
0x4: {  	s29 =	simm.s32 $0xBC00;
	s30 =	simm.s32 $0x1;
	s31 =	simm.s32 $0x14400  }
0x5: {  	s1 =	sand.u32 $0x1, s1;
	s5 =	sshll.u32 s4, $0xB;
	s4 =	simm.s32 $0x0  }
0x6: {  	s8 =	sadd.s32 $0x100, s2;
	s9 =	sadd.s32 $0x200, s2;
	s6 =	sshll.u32 s1, $0xA  }
0x7: {  	s10 =	sadd.s32 $0x300, s2;
	s11 =	sadd.s32 $0x400, s2;
	s5 =	sor.u32 s6, s5  }
0x8: {  	s12 =	sadd.s32 $0x500, s2;
	[dreg:$0x4] =	wrdreg s5;
	s5 =	sshrl.u32 s5, $0x3  }
0x9: {  	[smem:$0x7FF] =	sst s4;
	s15 =	sadd.s32 s5, s0;
	s0 =	sadd.s32 $0x1400, s0  }
0xa: {  	_ =	strace $0x80000047;
	s18 =	sor.u32 $0x1, s5;
	[dreg:$0x5] =	wrdreg s0  }
0xb: {  	s13 =	sadd.s32 $0x600, s2;
	s19 =	sor.u32 $0x2, s5;
	[dreg:$0x7] =	wrdreg s18  }
0xc: {  	s14 =	sadd.s32 $0x700, s2;
	s20 =	sor.u32 $0x3, s5;
	[dreg:$0x8] =	wrdreg s19  }
0xd: {  	s1 =	ssub.s32 $0x2, s1;
	s21 =	sor.u32 $0x4, s5;
	[dreg:$0x9] =	wrdreg s20  }
0xe: {  	s7 =	sshrl.u32 s1, $0x1;
	s22 =	sor.u32 $0x5, s5;
	[dreg:$0xa] =	wrdreg s21  }
0xf: {  	s6 =	simm.s32 $0x0;
	s23 =	sor.u32 $0x6, s5;
	[dreg:$0xb] =	wrdreg s22  }
0x10: {  	s16 =	ssub.s32 s1, s7;
	s24 =	sor.u32 $0x7, s5;
	[dreg:$0xc] =	wrdreg s23  }
0x11: {  	s1 =	simm.s32 $0x2;
	s25 =	sor.u32 $0x8, s5;
	[dreg:$0xd] =	wrdreg s24  }
.Ltmp0:
0x12: {  	s26 =	sor.u32 $0x9, s5;
	[dreg:$0xe] =	wrdreg s25;
	(pc) =	sbr.rel .LBB2_1-.Ltmp0, $4  }
0x13: {  	s5 =	simm.s32 $0x6;
	s17 =	sadd.s32 $0x400, s15;
	[dreg:$0xf] =	wrdreg s26  }
0x14: {  	v0 =	vlaneseq.u32;
	s0 =	smax.u32 s16, $0x1;
	s26 =	simm.s32 $0xAC00;
	s22 =	simm.s32 $0x18400  }
0x15: {  	v1 =	vshrl.u32 v0, $0x3;
	s23 =	simm.s32 $0x3;
	s15 =	simm.s32 $0x4;
	[dreg:$0x6] =	wrdreg s17  }
0x16: {  	vm0 =	vmmov $0xffff;
	v0 =	vand.u32 $0x7, v0;
	v1 =	vmul.u32 $0x8, v1;
	s16 =	simm.s32 $0x7;
	[dreg:$0x10] =	wrdreg s0;
	s17 =	simm.s32 $0x5  }
.LBB2_24:
0x17: {  	_ =	swait.ge [sflag:s5], $0x4000  }
0x18: {  	[sflag:s5] =	ssyncset.done $0x0  }
0x19: {  	[sflag:s5] =	ssyncadd.s32 $0xFFFFC000  }
0x1a: {  	_ =	swait.ge [sflag:s16], $0x4000  }
0x1b: {  	s6 =	rddreg [dreg:$0x11]  }
0x1c: {  	s0 =	rddreg [dreg:$0x10];
	s6 =	sadd.s32 $0x1, s6  }
0x1d: {  	p0 =	sne.s32 s6, s0  }
.Ltmp1:
0x1e: {  	_ = 	snop;
	(pc) =	sbr.rel @!p0 .LBB2_25-.Ltmp1, $3  }
0x1f: {  	_ =	sdelay $0x1  }
0x20: {  	[sflag:s16] =	ssyncset.done $0x0  }
0x21: {  	[sflag:s16] =	ssyncadd.s32 $0xFFFFC000  }
.LBB2_1:
0x22: {  	[dreg:$0x11] =	wrdreg s6  }
0x23: {  	s0 =	rddreg [dreg:$0x5];
	s25 =	simm.s32 $0x1C400;
	s7 =	simm.s32 $0x8  }
0x24: {  	[tilespmem:s25], [sflag:$0x8] =	stream.linear.gather [hbm4b:s0+s4], $0x1, $0x38;
	[tilespmem:$0x1C480] =	vst v63  }
0x25: {  	_ =	swait.ge [sflag:s7], $0x1  }
0x26: {  	[sflag:s7] =	ssyncset.done $0x0  }
0x27: {  	s18 =	rddreg [dreg:$0x6];
	[sflag:s7] =	ssyncadd.s32 $0xFFFFFFFF  }
0x28: {  	v2 =	vld.msk [tilespmem:$0x1C400 ss:$0x0], $0xffff;
	[tilespmem:s4], [sflag:$0x8] =	stream.linear.gather [hbm4b:s18+s4], $0x400, $0x38  }
0x29: {  	_ =	swait.ge [sflag:s7], $0x400  }
0x2a: {  	[sflag:s7] =	ssyncset.done $0x0  }
0x2b: {  	[sflag:s7] =	ssyncadd.s32 $0xFFFFFC00  }
0x2c: {  	v3 =	vld.msk [tilespmem:$0x0], $0xff;
	_ =	sdelay $0x4  }
0x2d: {  	v4 =	vshll.u32 v3, $0x4  }
0x2e: {  	v3 =	vand.u32 $0x7, v3;
	v4 =	vand.u32 $0xFFFFFF80, v4  }
0x2f: {  	v3 =	vor.u32 v3, v4  }
0x30: {  	v3 =	vperm.xlane v3, v0;
	_ =	sdelay $0x1  }
0x31: {  	v3 =	vadd.s32 v1, v3;
	_ =	sdelay $0x3  }
0x32: {  	s19 =	simm.s32 $0x400  }
0x33: {  	[tilespmem:s19], [sflag:$0x1] =	stream.indirect_vreg.gather [hbm4b:s2+s4], $0x80, v3, vm0, $0xb8;
	[tilespmem:$0x1C480] =	vst v63  }
0x34: {  	s20 =	simm.s32 $0xC00  }
0x35: {  	[tilespmem:s20], [sflag:$0x1] =	stream.indirect_vreg.gather [hbm4b:s8+s4], $0x80, v3, vm0, $0xb8;
	[tilespmem:$0x1C480] =	vst v63  }
0x36: {  	s21 =	simm.s32 $0x1400  }
0x37: {  	[tilespmem:s21], [sflag:$0x1] =	stream.indirect_vreg.gather [hbm4b:s9+s4], $0x80, v3, vm0, $0xb8;
	[tilespmem:$0x1C480] =	vst v63  }
0x38: {  	s24 =	simm.s32 $0x1C00  }
0x39: {  	[tilespmem:s24], [sflag:$0x1] =	stream.indirect_vreg.gather [hbm4b:s10+s4], $0x80, v3, vm0, $0xb8;
	[tilespmem:$0x1C480] =	vst v63  }
0x3a: {  	s25 =	simm.s32 $0x2400  }
0x3b: {  	[tilespmem:s25], [sflag:$0x1] =	stream.indirect_vreg.gather [hbm4b:s11+s4], $0x80, v3, vm0, $0xb8;
	[tilespmem:$0x1C480] =	vst v63  }
0x3c: {  	s6 =	simm.s32 $0x2C00  }
0x3d: {  	[tilespmem:s6], [sflag:$0x1] =	stream.indirect_vreg.gather [hbm4b:s12+s4], $0x80, v3, vm0, $0xb8;
	[tilespmem:$0x1C480] =	vst v63  }
0x3e: {  	s7 =	simm.s32 $0x3400  }
0x3f: {  	[tilespmem:s7], [sflag:$0x1] =	stream.indirect_vreg.gather [hbm4b:s13+s4], $0x80, v3, vm0, $0xb8;
	[tilespmem:$0x1C480] =	vst v63  }
0x40: {  	s18 =	simm.s32 $0x3C00  }
0x41: {  	[tilespmem:s18], [sflag:$0x1] =	stream.indirect_vreg.gather [hbm4b:s14+s4], $0x80, v3, vm0, $0xb8;
	[tilespmem:$0x1C480] =	vst v63  }
0x42: {  	v3 =	vld.msk [tilespmem:$0x8], $0xff;
	_ =	sdelay $0x4  }
0x43: {  	v61 =	vshll.u32 v3, $0x4  }
0x44: {  	v3 =	vand.u32 $0x7, v3;
	v4 =	vand.u32 $0xFFFFFF80, v61  }
0x45: {  	v3 =	vor.u32 v3, v4  }
0x46: {  	v3 =	vperm.xlane v3, v0;
	_ =	sdelay $0x1  }
0x47: {  	v3 =	vadd.s32 v1, v3;
	_ =	sdelay $0x3  }
0x48: {  	s19 =	simm.s32 $0x4400  }
0x49: {  	[tilespmem:s19], [sflag:$0x2] =	stream.indirect_vreg.gather [hbm4b:s2+s4], $0x80, v3, vm0, $0xb8;
	[tilespmem:$0x1C480] =	vst v63  }
0x4a: {  	s20 =	simm.s32 $0x4C00  }
0x4b: {  	[tilespmem:s20], [sflag:$0x2] =	stream.indirect_vreg.gather [hbm4b:s8+s4], $0x80, v3, vm0, $0xb8;
	[tilespmem:$0x1C480] =	vst v63  }
0x4c: {  	s21 =	simm.s32 $0x5400  }
0x4d: {  	[tilespmem:s21], [sflag:$0x2] =	stream.indirect_vreg.gather [hbm4b:s9+s4], $0x80, v3, vm0, $0xb8;
	[tilespmem:$0x1C480] =	vst v63  }
0x4e: {  	s24 =	simm.s32 $0x5C00  }
0x4f: {  	[tilespmem:s24], [sflag:$0x2] =	stream.indirect_vreg.gather [hbm4b:s10+s4], $0x80, v3, vm0, $0xb8;
	[tilespmem:$0x1C480] =	vst v63  }
0x50: {  	s25 =	simm.s32 $0x6400  }
0x51: {  	[tilespmem:s25], [sflag:$0x2] =	stream.indirect_vreg.gather [hbm4b:s11+s4], $0x80, v3, vm0, $0xb8;
	[tilespmem:$0x1C480] =	vst v63  }
0x52: {  	s6 =	simm.s32 $0x6C00  }
0x53: {  	[tilespmem:s6], [sflag:$0x2] =	stream.indirect_vreg.gather [hbm4b:s12+s4], $0x80, v3, vm0, $0xb8;
	[tilespmem:$0x1C480] =	vst v63  }
0x54: {  	s7 =	simm.s32 $0x7400  }
0x55: {  	[tilespmem:s7], [sflag:$0x2] =	stream.indirect_vreg.gather [hbm4b:s13+s4], $0x80, v3, vm0, $0xb8;
	[tilespmem:$0x1C480] =	vst v63  }
0x56: {  	s18 =	simm.s32 $0x7C00  }
0x57: {  	[tilespmem:s18], [sflag:$0x2] =	stream.indirect_vreg.gather [hbm4b:s14+s4], $0x80, v3, vm0, $0xb8;
	[tilespmem:$0x1C480] =	vst v63  }
0x58: {  	v3 =	vld.msk [tilespmem:$0x10], $0xff;
	_ =	sdelay $0x4  }
0x59: {  	v62 =	vshll.u32 v3, $0x4  }
0x5a: {  	v3 =	vand.u32 $0x7, v3;
	v4 =	vand.u32 $0xFFFFFF80, v62  }
0x5b: {  	v3 =	vor.u32 v3, v4  }
0x5c: {  	v3 =	vperm.xlane v3, v0;
	_ =	sdelay $0x1  }
0x5d: {  	v3 =	vadd.s32 v1, v3;
	_ =	sdelay $0x3  }
0x5e: {  	s19 =	simm.s32 $0x8400  }
0x5f: {  	[tilespmem:s19], [sflag:$0x3] =	stream.indirect_vreg.gather [hbm4b:s2+s4], $0x80, v3, vm0, $0xb8;
	[tilespmem:$0x1C480] =	vst v63  }
0x60: {  	s20 =	simm.s32 $0x8C00  }
0x61: {  	[tilespmem:s20], [sflag:$0x3] =	stream.indirect_vreg.gather [hbm4b:s8+s4], $0x80, v3, vm0, $0xb8;
	[tilespmem:$0x1C480] =	vst v63  }
0x62: {  	s21 =	simm.s32 $0x9400  }
0x63: {  	[tilespmem:s21], [sflag:$0x3] =	stream.indirect_vreg.gather [hbm4b:s9+s4], $0x80, v3, vm0, $0xb8;
	[tilespmem:$0x1C480] =	vst v63  }
0x64: {  	s24 =	simm.s32 $0x9C00  }
0x65: {  	[tilespmem:s24], [sflag:$0x3] =	stream.indirect_vreg.gather [hbm4b:s10+s4], $0x80, v3, vm0, $0xb8;
	[tilespmem:$0x1C480] =	vst v63  }
0x66: {  	s25 =	simm.s32 $0xA400  }
0x67: {  	[tilespmem:s25], [sflag:$0x3] =	stream.indirect_vreg.gather [hbm4b:s11+s4], $0x80, v3, vm0, $0xb8;
	[tilespmem:$0x1C480] =	vst v63  }
0x68: {  	_ = 	snop  }
0x69: {  	[tilespmem:s26], [sflag:$0x3] =	stream.indirect_vreg.gather [hbm4b:s12+s4], $0x80, v3, vm0, $0xb8;
	[tilespmem:$0x1C480] =	vst v63  }
0x6a: {  	_ = 	snop  }
0x6b: {  	[tilespmem:s28], [sflag:$0x3] =	stream.indirect_vreg.gather [hbm4b:s13+s4], $0x80, v3, vm0, $0xb8;
	[tilespmem:$0x1C480] =	vst v63  }
0x6c: {  	_ = 	snop  }
0x6d: {  	[tilespmem:s29], [sflag:$0x3] =	stream.indirect_vreg.gather [hbm4b:s14+s4], $0x80, v3, vm0, $0xb8;
	[tilespmem:$0x1C480] =	vst v63  }
0x6e: {  	v3 =	vld.msk [tilespmem:$0x18], $0xff;
	_ =	sdelay $0x4  }
0x6f: {  	v63 =	vshll.u32 v3, $0x4  }
0x70: {  	v3 =	vand.u32 $0x7, v3;
	v4 =	vand.u32 $0xFFFFFF80, v63  }
0x71: {  	v3 =	vor.u32 v3, v4  }
0x72: {  	v3 =	vperm.xlane v3, v0;
	_ =	sdelay $0x1  }
0x73: {  	v3 =	vadd.s32 v1, v3;
	_ =	sdelay $0x3  }
0x74: {  	s6 =	simm.s32 $0xC400  }
0x75: {  	[tilespmem:s6], [sflag:$0x4] =	stream.indirect_vreg.gather [hbm4b:s2+s4], $0x80, v3, vm0, $0xb8;
	[tilespmem:$0x1C480] =	vst v63  }
0x76: {  	s7 =	simm.s32 $0xCC00  }
0x77: {  	[tilespmem:s7], [sflag:$0x4] =	stream.indirect_vreg.gather [hbm4b:s8+s4], $0x80, v3, vm0, $0xb8;
	[tilespmem:$0x1C480] =	vst v63  }
0x78: {  	s18 =	simm.s32 $0xD400  }
0x79: {  	[tilespmem:s18], [sflag:$0x4] =	stream.indirect_vreg.gather [hbm4b:s9+s4], $0x80, v3, vm0, $0xb8;
	[tilespmem:$0x1C480] =	vst v63  }
0x7a: {  	s19 =	simm.s32 $0xDC00  }
0x7b: {  	[tilespmem:s19], [sflag:$0x4] =	stream.indirect_vreg.gather [hbm4b:s10+s4], $0x80, v3, vm0, $0xb8;
	[tilespmem:$0x1C480] =	vst v63  }
0x7c: {  	s20 =	simm.s32 $0xE400  }
0x7d: {  	[tilespmem:s20], [sflag:$0x4] =	stream.indirect_vreg.gather [hbm4b:s11+s4], $0x80, v3, vm0, $0xb8;
	[tilespmem:$0x1C480] =	vst v63  }
0x7e: {  	s21 =	simm.s32 $0xEC00  }
0x7f: {  	[tilespmem:s21], [sflag:$0x4] =	stream.indirect_vreg.gather [hbm4b:s12+s4], $0x80, v3, vm0, $0xb8;
	[tilespmem:$0x1C480] =	vst v63  }
0x80: {  	s24 =	simm.s32 $0xF400  }
0x81: {  	[tilespmem:s24], [sflag:$0x4] =	stream.indirect_vreg.gather [hbm4b:s13+s4], $0x80, v3, vm0, $0xb8;
	[tilespmem:$0x1C480] =	vst v63  }
0x82: {  	s25 =	simm.s32 $0xFC00;
	s18 =	simm.s32 $0x0  }
0x83: {  	[tilespmem:s25], [sflag:$0x4] =	stream.indirect_vreg.gather [hbm4b:s14+s4], $0x80, v3, vm0, $0xb8;
	[tilespmem:$0x1C480] =	vst v63  }
.LBB2_2:
0x84: {  	s0 =	smul.u32 $0x140, s18;
	_ =	sdelay $0x1  }
0x85: {  	s20 =	sshra.s32 s0, $0x2  }
0x86: {  	v3 =	vld.msk [tilespmem:s20+$0x20], $0xff;
	_ =	sdelay $0x4  }
0x87: {  	v4 =	vshll.u32 v3, $0x4  }
0x88: {  	v3 =	vand.u32 $0x7, v3;
	v4 =	vand.u32 $0xFFFFFF80, v4  }
0x89: {  	v3 =	vor.u32 v3, v4  }
0x8a: {  	v3 =	vperm.xlane v3, v0;
	_ =	sdelay $0x1  }
0x8b: {  	v3 =	vadd.s32 v1, v3;
	_ =	sdelay $0x3  }
0x8c: {  	s19 =	simm.s32 $0x10400  }
0x8d: {  	[tilespmem:s19], [sflag:$0x5] =	stream.indirect_vreg.gather [hbm4b:s2+s4], $0x80, v3, vm0, $0xb8;
	[tilespmem:$0x1C480] =	vst v63  }
0x8e: {  	s21 =	simm.s32 $0x10C00  }
0x8f: {  	[tilespmem:s21], [sflag:$0x5] =	stream.indirect_vreg.gather [hbm4b:s8+s4], $0x80, v3, vm0, $0xb8;
	[tilespmem:$0x1C480] =	vst v63  }
0x90: {  	s24 =	simm.s32 $0x11400  }
0x91: {  	[tilespmem:s24], [sflag:$0x5] =	stream.indirect_vreg.gather [hbm4b:s9+s4], $0x80, v3, vm0, $0xb8;
	[tilespmem:$0x1C480] =	vst v63  }
0x92: {  	s25 =	simm.s32 $0x11C00  }
0x93: {  	[tilespmem:s25], [sflag:$0x5] =	stream.indirect_vreg.gather [hbm4b:s10+s4], $0x80, v3, vm0, $0xb8;
	[tilespmem:$0x1C480] =	vst v63  }
0x94: {  	s6 =	simm.s32 $0x12400  }
0x95: {  	[tilespmem:s6], [sflag:$0x5] =	stream.indirect_vreg.gather [hbm4b:s11+s4], $0x80, v3, vm0, $0xb8;
	[tilespmem:$0x1C480] =	vst v63  }
0x96: {  	s7 =	simm.s32 $0x12C00  }
0x97: {  	[tilespmem:s7], [sflag:$0x5] =	stream.indirect_vreg.gather [hbm4b:s12+s4], $0x80, v3, vm0, $0xb8;
	[tilespmem:$0x1C480] =	vst v63  }
0x98: {  	s19 =	simm.s32 $0x13400  }
0x99: {  	[tilespmem:s19], [sflag:$0x5] =	stream.indirect_vreg.gather [hbm4b:s13+s4], $0x80, v3, vm0, $0xb8;
	[tilespmem:$0x1C480] =	vst v63  }
0x9a: {  	s21 =	simm.s32 $0x13C00  }
0x9b: {  	[tilespmem:s21], [sflag:$0x5] =	stream.indirect_vreg.gather [hbm4b:s14+s4], $0x80, v3, vm0, $0xb8;
	[tilespmem:$0x1C480] =	vst v63  }
0x9c: {  	_ =	swait.ge [sflag:s30], $0x4000  }
0x9d: {  	p0 =	seq.s32 s18, $0x0;
	[sflag:s30] =	ssyncset.done $0x0  }
0x9e: {  	s0 =	simm.s32 @!p0 $0x6;
	[sflag:s30] =	ssyncadd.s32 $0xFFFFC000  }
0x9f: {  	s6 =	simm.s32 $0x0;
	s19 =	simm.s32 $0x0;
	_ =	swait.ge @!p0 [sflag:s0], $0x4000  }
0xa0: {  	s6 =	sand.u32 $0x3C00, s6;
	s19 =	sand.u32 $0x380, s19;
	[sflag:s0] =	ssyncset.done @!p0 $0x0  }
0xa1: {  	[sflag:s0] =	ssyncadd.s32 @!p0 $0xFFFFC000;
	s0 =	sor.u32 s19, s6  }
0xa2: {  	v3 =	vld [tilespmem:s0+$0x470]  }
0xa3: {  	v4 =	vld [tilespmem:s0+$0x400]  }
0xa4: {  	v5 =	vld [tilespmem:s0+$0x410]  }
0xa5: {  	v6 =	vld [tilespmem:s0+$0x420]  }
0xa6: {  	v8 =	vld [tilespmem:s0+$0x430]  }
0xa7: {  	s25 =	simm.s32 $0x8;
	s6 =	simm.s32 $0x400;
	v9 =	vld [tilespmem:s0+$0x440];
	v3 =	vmul.f32 v3, v2  }
0xa8: {  	s21 =	sand.u32 $0x380, s25;
	s24 =	sand.u32 $0x3C00, s6;
	v10 =	vld [tilespmem:s0+$0x450];
	v4 =	vmul.f32 v4, v2  }
0xa9: {  	v12 =	vld [tilespmem:s0+$0x460];
	s21 =	sor.u32 s21, s24;
	v11 =	vmul.f32 v5, v2;
	[tilespmem:s0+$0x14470] =	vst v3  }
0xaa: {  	v7 =	vld [tilespmem:s21+$0x470];
	[tilespmem:s0+$0x14400] =	vst v4;
	v3 =	vmul.f32 v6, v2  }
0xab: {  	v5 =	vld [tilespmem:s21+$0x400];
	[tilespmem:s0+$0x14410] =	vst v11;
	v4 =	vmul.f32 v8, v2  }
0xac: {  	v6 =	vld [tilespmem:s21+$0x410];
	v8 =	vmul.f32 v9, v2;
	[tilespmem:s0+$0x14420] =	vst v3  }
0xad: {  	v9 =	vmul.f32 v10, v2;
	v3 =	vld [tilespmem:s21+$0x420];
	[tilespmem:s0+$0x14430] =	vst v4  }
0xae: {  	s19 =	smul.u32 $0xA, s18;
	v4 =	vld [tilespmem:s21+$0x430];
	[tilespmem:s0+$0x14440] =	vst v8;
	v8 =	vmul.f32 v12, v2  }
.LBB2_3:
0xaf: {  	s25 =	sadd.s32 $0x8, s25;
	v10 =	vld [tilespmem:s21+$0x440];
	v7 =	vmul.f32 v7, v2;
	s6 =	sadd.s32 $0x400, s6;
	[tilespmem:s0+$0x14450] =	vst v9  }
0xb0: {  	s7 =	sand.u32 $0x3C00, s6;
	s24 =	sand.u32 $0x380, s25;
	p1 =	slt.u32 s25, $0x3F8;
	v5 =	vmul.f32 v5, v2;
	v9 =	vld [tilespmem:s21+$0x450];
	[tilespmem:s0+$0x14460] =	vst v8  }
0xb1: {  	s0 =	smov.u32 s21;
	v6 =	vmul.f32 v6, v2;
	v8 =	vld [tilespmem:s21+$0x460];
	[tilespmem:s21+$0x14470] =	vst v7;
	s21 =	sor.u32 s24, s7  }
.Ltmp2:
0xb2: {  	v7 =	vld [tilespmem:s21+$0x470];
	[tilespmem:s0+$0x14400] =	vst v5;
	v3 =	vmul.f32 v3, v2;
	(pc) =	sbr.rel @p1 .LBB2_3-.Ltmp2, $4  }
0xb3: {  	v5 =	vld [tilespmem:s21+$0x400];
	[tilespmem:s0+$0x14410] =	vst v6;
	v4 =	vmul.f32 v4, v2  }
0xb4: {  	v6 =	vld [tilespmem:s21+$0x410];
	[tilespmem:s0+$0x14420] =	vst v3;
	v10 =	vmul.f32 v10, v2  }
0xb5: {  	v3 =	vld [tilespmem:s21+$0x420];
	[tilespmem:s0+$0x14430] =	vst v4;
	v9 =	vmul.f32 v9, v2  }
0xb6: {  	v4 =	vld [tilespmem:s21+$0x430];
	[tilespmem:s0+$0x14440] =	vst v10;
	v8 =	vmul.f32 v8, v2  }
0xb7: {  	v10 =	vld [tilespmem:s21+$0x440];
	v7 =	vmul.f32 v7, v2;
	[tilespmem:s0+$0x14450] =	vst v9  }
0xb8: {  	v5 =	vmul.f32 v5, v2;
	[tilespmem:s0+$0x14460] =	vst v8  }
0xb9: {  	v6 =	vmul.f32 v6, v2;
	[tilespmem:s21+$0x14470] =	vst v7  }
0xba: {  	v9 =	vld [tilespmem:s21+$0x450];
	[tilespmem:s21+$0x14400] =	vst v5;
	v3 =	vmul.f32 v3, v2  }
0xbb: {  	v8 =	vld [tilespmem:s21+$0x460];
	[tilespmem:s21+$0x14410] =	vst v6;
	v4 =	vmul.f32 v4, v2  }
0xbc: {  	[tilespmem:s21+$0x14420] =	vst v3;
	v3 =	vmul.f32 v10, v2  }
0xbd: {  	[tilespmem:s21+$0x14430] =	vst v4  }
0xbe: {  	s25 =	smul.u32 $0x50, s18;
	[tilespmem:s21+$0x14440] =	vst v3  }
0xbf: {  	v4 =	vmul.f32 v9, v2;
	s6 =	rddreg [dreg:$0x4]  }
0xc0: {  	v3 =	vmul.f32 v8, v2;
	s0 =	sadd.s32 s6, s25  }
0xc1: {  	[tilespmem:s21+$0x14450] =	vst v4;
	s0 =	sshll.u32 s0, $0x8  }
0xc2: {  	[tilespmem:s21+$0x14460] =	vst v3;
	s0 =	sadd.s32 s3, s0  }
0xc3: {  	[hbm4b:s0+s4] =	stream.linear.scatter [tilespmem:s31], [sflag:$0x6], $0x4000, $0x38;
	[tilespmem:$0x1C480] =	vst v63  }
0xc4: {  	v3 =	vld.msk [tilespmem:s20+$0x28], $0xff;
	_ =	sdelay $0x4  }
0xc5: {  	v4 =	vshll.u32 v3, $0x4  }
0xc6: {  	v3 =	vand.u32 $0x7, v3;
	v4 =	vand.u32 $0xFFFFFF80, v4  }
0xc7: {  	v3 =	vor.u32 v3, v4  }
0xc8: {  	v3 =	vperm.xlane v3, v0;
	_ =	sdelay $0x1  }
0xc9: {  	v3 =	vadd.s32 v1, v3;
	_ =	sdelay $0x3  }
0xca: {  	s7 =	simm.s32 $0x400  }
0xcb: {  	[tilespmem:s7], [sflag:$0x1] =	stream.indirect_vreg.gather [hbm4b:s2+s4], $0x80, v3, vm0, $0xb8;
	[tilespmem:$0x1C480] =	vst v63  }
0xcc: {  	s21 =	simm.s32 $0xC00  }
0xcd: {  	[tilespmem:s21], [sflag:$0x1] =	stream.indirect_vreg.gather [hbm4b:s8+s4], $0x80, v3, vm0, $0xb8;
	[tilespmem:$0x1C480] =	vst v63  }
0xce: {  	s24 =	simm.s32 $0x1400  }
0xcf: {  	[tilespmem:s24], [sflag:$0x1] =	stream.indirect_vreg.gather [hbm4b:s9+s4], $0x80, v3, vm0, $0xb8;
	[tilespmem:$0x1C480] =	vst v63  }
0xd0: {  	s25 =	simm.s32 $0x1C00  }
0xd1: {  	[tilespmem:s25], [sflag:$0x1] =	stream.indirect_vreg.gather [hbm4b:s10+s4], $0x80, v3, vm0, $0xb8;
	[tilespmem:$0x1C480] =	vst v63  }
0xd2: {  	s6 =	simm.s32 $0x2400  }
0xd3: {  	[tilespmem:s6], [sflag:$0x1] =	stream.indirect_vreg.gather [hbm4b:s11+s4], $0x80, v3, vm0, $0xb8;
	[tilespmem:$0x1C480] =	vst v63  }
0xd4: {  	s7 =	simm.s32 $0x2C00  }
0xd5: {  	[tilespmem:s7], [sflag:$0x1] =	stream.indirect_vreg.gather [hbm4b:s12+s4], $0x80, v3, vm0, $0xb8;
	[tilespmem:$0x1C480] =	vst v63  }
0xd6: {  	s21 =	simm.s32 $0x3400  }
0xd7: {  	[tilespmem:s21], [sflag:$0x1] =	stream.indirect_vreg.gather [hbm4b:s13+s4], $0x80, v3, vm0, $0xb8;
	[tilespmem:$0x1C480] =	vst v63  }
0xd8: {  	s24 =	simm.s32 $0x3C00  }
0xd9: {  	[tilespmem:s24], [sflag:$0x1] =	stream.indirect_vreg.gather [hbm4b:s14+s4], $0x80, v3, vm0, $0xb8;
	[tilespmem:$0x1C480] =	vst v63  }
0xda: {  	_ =	swait.ge [sflag:s1], $0x4000  }
0xdb: {  	[sflag:s1] =	ssyncset.done $0x0  }
0xdc: {  	s0 =	simm.s32 @!p0 $0x7;
	[sflag:s1] =	ssyncadd.s32 $0xFFFFC000  }
0xdd: {  	s25 =	simm.s32 $0x0;
	s7 =	simm.s32 $0x0;
	_ =	swait.ge @!p0 [sflag:s0], $0x4000  }
0xde: {  	s6 =	sand.u32 $0x3C00, s25;
	s7 =	sand.u32 $0x380, s7;
	[sflag:s0] =	ssyncset.done @!p0 $0x0  }
0xdf: {  	[sflag:s0] =	ssyncadd.s32 @!p0 $0xFFFFC000;
	s0 =	sor.u32 s7, s6  }
0xe0: {  	v3 =	vld [tilespmem:s0+$0x4470]  }
0xe1: {  	v4 =	vld [tilespmem:s0+$0x4400]  }
0xe2: {  	v5 =	vld [tilespmem:s0+$0x4410]  }
0xe3: {  	v6 =	vld [tilespmem:s0+$0x4420]  }
0xe4: {  	v8 =	vld [tilespmem:s0+$0x4430]  }
0xe5: {  	s25 =	simm.s32 $0x8;
	s6 =	simm.s32 $0x400;
	v9 =	vld [tilespmem:s0+$0x4440];
	v3 =	vmul.f32 v3, v2  }
0xe6: {  	s24 =	sand.u32 $0x380, s25;
	s21 =	sand.u32 $0x3C00, s6;
	v10 =	vld [tilespmem:s0+$0x4450];
	v4 =	vmul.f32 v4, v2  }
0xe7: {  	v12 =	vld [tilespmem:s0+$0x4460];
	s21 =	sor.u32 s24, s21;
	v11 =	vmul.f32 v5, v2;
	[tilespmem:s0+$0x18470] =	vst v3  }
0xe8: {  	v7 =	vld [tilespmem:s21+$0x4470];
	[tilespmem:s0+$0x18400] =	vst v4;
	v3 =	vmul.f32 v6, v2  }
0xe9: {  	v5 =	vld [tilespmem:s21+$0x4400];
	[tilespmem:s0+$0x18410] =	vst v11;
	v4 =	vmul.f32 v8, v2  }
0xea: {  	v6 =	vld [tilespmem:s21+$0x4410];
	v8 =	vmul.f32 v9, v2;
	[tilespmem:s0+$0x18420] =	vst v3  }
0xeb: {  	v9 =	vmul.f32 v10, v2;
	v3 =	vld [tilespmem:s21+$0x4420];
	[tilespmem:s0+$0x18430] =	vst v4  }
0xec: {  	v4 =	vld [tilespmem:s21+$0x4430];
	[tilespmem:s0+$0x18440] =	vst v8;
	v8 =	vmul.f32 v12, v2  }
.LBB2_5:
0xed: {  	s25 =	sadd.s32 $0x8, s25;
	v10 =	vld [tilespmem:s21+$0x4440];
	v7 =	vmul.f32 v7, v2;
	s6 =	sadd.s32 $0x400, s6;
	[tilespmem:s0+$0x18450] =	vst v9  }
0xee: {  	s7 =	sand.u32 $0x3C00, s6;
	s24 =	sand.u32 $0x380, s25;
	p0 =	slt.u32 s25, $0x3F8;
	v5 =	vmul.f32 v5, v2;
	v9 =	vld [tilespmem:s21+$0x4450];
	[tilespmem:s0+$0x18460] =	vst v8  }
0xef: {  	s0 =	smov.u32 s21;
	v6 =	vmul.f32 v6, v2;
	v8 =	vld [tilespmem:s21+$0x4460];
	[tilespmem:s21+$0x18470] =	vst v7;
	s21 =	sor.u32 s24, s7  }
.Ltmp3:
0xf0: {  	v7 =	vld [tilespmem:s21+$0x4470];
	[tilespmem:s0+$0x18400] =	vst v5;
	v3 =	vmul.f32 v3, v2;
	(pc) =	sbr.rel @p0 .LBB2_5-.Ltmp3, $4  }
0xf1: {  	v5 =	vld [tilespmem:s21+$0x4400];
	[tilespmem:s0+$0x18410] =	vst v6;
	v4 =	vmul.f32 v4, v2  }
0xf2: {  	v6 =	vld [tilespmem:s21+$0x4410];
	[tilespmem:s0+$0x18420] =	vst v3;
	v10 =	vmul.f32 v10, v2  }
0xf3: {  	v3 =	vld [tilespmem:s21+$0x4420];
	[tilespmem:s0+$0x18430] =	vst v4;
	v9 =	vmul.f32 v9, v2  }
0xf4: {  	v4 =	vld [tilespmem:s21+$0x4430];
	[tilespmem:s0+$0x18440] =	vst v10;
	v8 =	vmul.f32 v8, v2  }
0xf5: {  	v10 =	vld [tilespmem:s21+$0x4440];
	v7 =	vmul.f32 v7, v2;
	[tilespmem:s0+$0x18450] =	vst v9  }
0xf6: {  	v5 =	vmul.f32 v5, v2;
	[tilespmem:s0+$0x18460] =	vst v8  }
0xf7: {  	v6 =	vmul.f32 v6, v2;
	[tilespmem:s21+$0x18470] =	vst v7  }
0xf8: {  	v9 =	vld [tilespmem:s21+$0x4450];
	[tilespmem:s21+$0x18400] =	vst v5;
	v3 =	vmul.f32 v3, v2  }
0xf9: {  	v8 =	vld [tilespmem:s21+$0x4460];
	[tilespmem:s21+$0x18410] =	vst v6;
	v4 =	vmul.f32 v4, v2  }
0xfa: {  	[tilespmem:s21+$0x18420] =	vst v3;
	v3 =	vmul.f32 v10, v2  }
0xfb: {  	[tilespmem:s21+$0x18430] =	vst v4  }
0xfc: {  	[tilespmem:s21+$0x18440] =	vst v3  }
0xfd: {  	v4 =	vmul.f32 v9, v2;
	s0 =	rddreg [dreg:$0x7]  }
0xfe: {  	v3 =	vmul.f32 v8, v2;
	s0 =	sadd.s32 s19, s0  }
0xff: {  	[tilespmem:s21+$0x18450] =	vst v4;
	s0 =	sshll.u32 s0, $0xB  }
0x100: {  	s6 =	simm.s32 $0x0;
	[tilespmem:s21+$0x18460] =	vst v3;
	s0 =	sadd.s32 s3, s0  }
0x101: {  	[hbm4b:s0+s6] =	stream.linear.scatter [tilespmem:s22], [sflag:$0x7], $0x4000, $0x38;
	[tilespmem:$0x1C480] =	vst v63  }
0x102: {  	v3 =	vld.msk [tilespmem:s20+$0x30], $0xff;
	_ =	sdelay $0x4  }
0x103: {  	v4 =	vshll.u32 v3, $0x4  }
0x104: {  	v3 =	vand.u32 $0x7, v3;
	v4 =	vand.u32 $0xFFFFFF80, v4  }
0x105: {  	v3 =	vor.u32 v3, v4  }
0x106: {  	v3 =	vperm.xlane v3, v0;
	_ =	sdelay $0x1  }
0x107: {  	v3 =	vadd.s32 v1, v3;
	_ =	sdelay $0x3  }
0x108: {  	s21 =	simm.s32 $0x4400  }
0x109: {  	[tilespmem:s21], [sflag:$0x2] =	stream.indirect_vreg.gather [hbm4b:s2+s6], $0x80, v3, vm0, $0xb8;
	[tilespmem:$0x1C480] =	vst v63  }
0x10a: {  	s24 =	simm.s32 $0x4C00  }
0x10b: {  	[tilespmem:s24], [sflag:$0x2] =	stream.indirect_vreg.gather [hbm4b:s8+s6], $0x80, v3, vm0, $0xb8;
	[tilespmem:$0x1C480] =	vst v63  }
0x10c: {  	s25 =	simm.s32 $0x5400  }
0x10d: {  	[tilespmem:s25], [sflag:$0x2] =	stream.indirect_vreg.gather [hbm4b:s9+s6], $0x80, v3, vm0, $0xb8;
	[tilespmem:$0x1C480] =	vst v63  }
0x10e: {  	s7 =	simm.s32 $0x5C00  }
0x10f: {  	[tilespmem:s7], [sflag:$0x2] =	stream.indirect_vreg.gather [hbm4b:s10+s6], $0x80, v3, vm0, $0xb8;
	[tilespmem:$0x1C480] =	vst v63  }
0x110: {  	s21 =	simm.s32 $0x6400  }
0x111: {  	[tilespmem:s21], [sflag:$0x2] =	stream.indirect_vreg.gather [hbm4b:s11+s6], $0x80, v3, vm0, $0xb8;
	[tilespmem:$0x1C480] =	vst v63  }
0x112: {  	s24 =	simm.s32 $0x6C00  }
0x113: {  	[tilespmem:s24], [sflag:$0x2] =	stream.indirect_vreg.gather [hbm4b:s12+s6], $0x80, v3, vm0, $0xb8;
	[tilespmem:$0x1C480] =	vst v63  }
0x114: {  	s25 =	simm.s32 $0x7400  }
0x115: {  	[tilespmem:s25], [sflag:$0x2] =	stream.indirect_vreg.gather [hbm4b:s13+s6], $0x80, v3, vm0, $0xb8;
	[tilespmem:$0x1C480] =	vst v63  }
0x116: {  	s7 =	simm.s32 $0x7C00  }
0x117: {  	[tilespmem:s7], [sflag:$0x2] =	stream.indirect_vreg.gather [hbm4b:s14+s6], $0x80, v3, vm0, $0xb8;
	[tilespmem:$0x1C480] =	vst v63  }
0x118: {  	_ =	swait.ge [sflag:s23], $0x4000  }
0x119: {  	[sflag:s23] =	ssyncset.done $0x0  }
0x11a: {  	[sflag:s23] =	ssyncadd.s32 $0xFFFFC000  }
0x11b: {  	s21 =	simm.s32 $0x0;
	_ =	swait.ge [sflag:s5], $0x4000  }
0x11c: {  	s0 =	sand.u32 $0x380, s21;
	s6 =	sand.u32 $0x3C00, s6;
	[sflag:s5] =	ssyncset.done $0x0  }
0x11d: {  	s6 =	sor.u32 s0, s6;
	[sflag:s5] =	ssyncadd.s32 $0xFFFFC000  }
0x11e: {  	v3 =	vld [tilespmem:s6+$0x8400]  }
0x11f: {  	v4 =	vld [tilespmem:s6+$0x8470]  }
0x120: {  	v5 =	vld [tilespmem:s6+$0x8410]  }
0x121: {  	v8 =	vld [tilespmem:s6+$0x8430]  }
0x122: {  	v9 =	vld [tilespmem:s6+$0x8440]  }
0x123: {  	v6 =	vld [tilespmem:s6+$0x8420]  }
0x124: {  	s21 =	simm.s32 $0x8;
	s25 =	simm.s32 $0x400;
	v3 =	vmul.f32 v3, v2  }
0x125: {  	s24 =	sand.u32 $0x3C00, s25;
	s7 =	sand.u32 $0x380, s21;
	v10 =	vld [tilespmem:s6+$0x8450];
	v4 =	vmul.f32 v4, v2  }
0x126: {  	s0 =	sor.u32 s7, s24;
	v11 =	vld [tilespmem:s6+$0x8460];
	v8 =	vmul.f32 v8, v2;
	[tilespmem:s6+$0x14400] =	vst v3;
	s6 =	sadd.s32 $0x14400, s6  }
0x127: {  	v7 =	vld [tilespmem:s0+$0x8470];
	v12 =	vmul.f32 v9, v2;
	[tilespmem:s6+$0x70] =	vst v4  }
0x128: {  	v3 =	vmul.f32 v5, v2;
	v4 =	vmul.f32 v6, v2;
	v6 =	vld [tilespmem:s0+$0x8400];
	[tilespmem:s6+$0x30] =	vst v8  }
0x129: {  	v5 =	vld [tilespmem:s0+$0x8410];
	[tilespmem:s6+$0x40] =	vst v12  }
0x12a: {  	v9 =	vmul.f32 v10, v2;
	[tilespmem:s6+$0x10] =	vst v3;
	v3 =	vld [tilespmem:s0+$0x8420]  }
0x12b: {  	v8 =	vmul.f32 v11, v2;
	[tilespmem:s6+$0x20] =	vst v4;
	v4 =	vld [tilespmem:s0+$0x8430]  }
.LBB2_7:
0x12c: {  	s21 =	sadd.s32 $0x8, s21;
	v10 =	vld [tilespmem:s0+$0x8440];
	v7 =	vmul.f32 v7, v2;
	s25 =	sadd.s32 $0x400, s25;
	[tilespmem:s6+$0x50] =	vst v9  }
0x12d: {  	s7 =	sand.u32 $0x3C00, s25;
	s24 =	sand.u32 $0x380, s21;
	v6 =	vmul.f32 v6, v2;
	v9 =	vld [tilespmem:s0+$0x8450];
	[tilespmem:s6+$0x60] =	vst v8;
	s6 =	sadd.s32 $0x14400, s0  }
0x12e: {  	p0 =	slt.u32 s21, $0x3F8;
	s7 =	sor.u32 s24, s7;
	v5 =	vmul.f32 v5, v2;
	v8 =	vld [tilespmem:s0+$0x8460];
	[tilespmem:s6+$0x70] =	vst v7  }
.Ltmp4:
0x12f: {  	v7 =	vld [tilespmem:s7+$0x8470];
	[tilespmem:s0+$0x14400] =	vst v6;
	v3 =	vmul.f32 v3, v2;
	s0 =	smov.u32 s7;
	(pc) =	sbr.rel @p0 .LBB2_7-.Ltmp4, $4  }
0x130: {  	v6 =	vld [tilespmem:s0+$0x8400];
	[tilespmem:s6+$0x10] =	vst v5;
	v4 =	vmul.f32 v4, v2  }
0x131: {  	v5 =	vld [tilespmem:s0+$0x8410];
	[tilespmem:s6+$0x20] =	vst v3;
	v10 =	vmul.f32 v10, v2  }
0x132: {  	v3 =	vld [tilespmem:s0+$0x8420];
	[tilespmem:s6+$0x30] =	vst v4;
	v9 =	vmul.f32 v9, v2  }
0x133: {  	v4 =	vld [tilespmem:s0+$0x8430];
	[tilespmem:s6+$0x40] =	vst v10;
	v8 =	vmul.f32 v8, v2  }
0x134: {  	v7 =	vmul.f32 v7, v2;
	[tilespmem:s6+$0x50] =	vst v9  }
0x135: {  	s7 =	sadd.s32 $0x14400, s0;
	v6 =	vmul.f32 v6, v2;
	[tilespmem:s6+$0x60] =	vst v8  }
0x136: {  	v10 =	vld [tilespmem:s0+$0x8440];
	v5 =	vmul.f32 v5, v2;
	[tilespmem:s7+$0x70] =	vst v7  }
0x137: {  	v9 =	vld [tilespmem:s0+$0x8450];
	[tilespmem:s0+$0x14400] =	vst v6;
	v3 =	vmul.f32 v3, v2  }
0x138: {  	v8 =	vld [tilespmem:s0+$0x8460];
	[tilespmem:s7+$0x10] =	vst v5;
	v4 =	vmul.f32 v4, v2  }
0x139: {  	[tilespmem:s7+$0x20] =	vst v3  }
0x13a: {  	[tilespmem:s7+$0x30] =	vst v4  }
0x13b: {  	v3 =	vmul.f32 v10, v2;
	s0 =	rddreg [dreg:$0x8]  }
0x13c: {  	v4 =	vmul.f32 v9, v2;
	s0 =	sadd.s32 s19, s0  }
0x13d: {  	[tilespmem:s7+$0x40] =	vst v3;
	v3 =	vmul.f32 v8, v2;
	s0 =	sshll.u32 s0, $0xB  }
0x13e: {  	[tilespmem:s7+$0x50] =	vst v4;
	s0 =	sand.u32 $0x1FFFF000, s0  }
0x13f: {  	s6 =	simm.s32 $0x0;
	[tilespmem:s7+$0x60] =	vst v3;
	s0 =	sadd.s32 s3, s0  }
0x140: {  	[hbm4b:s0+s6] =	stream.linear.scatter [tilespmem:s31], [sflag:$0x6], $0x4000, $0x38;
	[tilespmem:$0x1C480] =	vst v63  }
0x141: {  	v3 =	vld.msk [tilespmem:s20+$0x38], $0xff;
	_ =	sdelay $0x4  }
0x142: {  	v4 =	vshll.u32 v3, $0x4  }
0x143: {  	v3 =	vand.u32 $0x7, v3;
	v4 =	vand.u32 $0xFFFFFF80, v4  }
0x144: {  	v3 =	vor.u32 v3, v4  }
0x145: {  	v3 =	vperm.xlane v3, v0;
	_ =	sdelay $0x1  }
0x146: {  	v3 =	vadd.s32 v1, v3;
	_ =	sdelay $0x3  }
0x147: {  	s24 =	simm.s32 $0x8400  }
0x148: {  	[tilespmem:s24], [sflag:$0x3] =	stream.indirect_vreg.gather [hbm4b:s2+s6], $0x80, v3, vm0, $0xb8;
	[tilespmem:$0x1C480] =	vst v63  }
0x149: {  	s25 =	simm.s32 $0x8C00  }
0x14a: {  	[tilespmem:s25], [sflag:$0x3] =	stream.indirect_vreg.gather [hbm4b:s8+s6], $0x80, v3, vm0, $0xb8;
	[tilespmem:$0x1C480] =	vst v63  }
0x14b: {  	s7 =	simm.s32 $0x9400  }
0x14c: {  	[tilespmem:s7], [sflag:$0x3] =	stream.indirect_vreg.gather [hbm4b:s9+s6], $0x80, v3, vm0, $0xb8;
	[tilespmem:$0x1C480] =	vst v63  }
0x14d: {  	s21 =	simm.s32 $0x9C00  }
0x14e: {  	[tilespmem:s21], [sflag:$0x3] =	stream.indirect_vreg.gather [hbm4b:s10+s6], $0x80, v3, vm0, $0xb8;
	[tilespmem:$0x1C480] =	vst v63  }
0x14f: {  	s24 =	simm.s32 $0xA400  }
0x150: {  	[tilespmem:s24], [sflag:$0x3] =	stream.indirect_vreg.gather [hbm4b:s11+s6], $0x80, v3, vm0, $0xb8;
	[tilespmem:$0x1C480] =	vst v63  }
0x151: {  	_ = 	snop  }
0x152: {  	[tilespmem:s26], [sflag:$0x3] =	stream.indirect_vreg.gather [hbm4b:s12+s6], $0x80, v3, vm0, $0xb8;
	[tilespmem:$0x1C480] =	vst v63  }
0x153: {  	_ = 	snop  }
0x154: {  	[tilespmem:s28], [sflag:$0x3] =	stream.indirect_vreg.gather [hbm4b:s13+s6], $0x80, v3, vm0, $0xb8;
	[tilespmem:$0x1C480] =	vst v63  }
0x155: {  	_ = 	snop  }
0x156: {  	[tilespmem:s29], [sflag:$0x3] =	stream.indirect_vreg.gather [hbm4b:s14+s6], $0x80, v3, vm0, $0xb8;
	[tilespmem:$0x1C480] =	vst v63  }
0x157: {  	_ =	swait.ge [sflag:s15], $0x4000  }
0x158: {  	[sflag:s15] =	ssyncset.done $0x0  }
0x159: {  	[sflag:s15] =	ssyncadd.s32 $0xFFFFC000  }
0x15a: {  	s25 =	simm.s32 $0x0;
	_ =	swait.ge [sflag:s16], $0x4000  }
0x15b: {  	s0 =	sand.u32 $0x380, s25;
	s6 =	sand.u32 $0x3C00, s6;
	[sflag:s16] =	ssyncset.done $0x0  }
0x15c: {  	s6 =	sor.u32 s0, s6;
	[sflag:s16] =	ssyncadd.s32 $0xFFFFC000  }
0x15d: {  	v3 =	vld [tilespmem:s6+$0xC400]  }
0x15e: {  	v4 =	vld [tilespmem:s6+$0xC470]  }
0x15f: {  	v5 =	vld [tilespmem:s6+$0xC410]  }
0x160: {  	v8 =	vld [tilespmem:s6+$0xC430]  }
0x161: {  	v9 =	vld [tilespmem:s6+$0xC440]  }
0x162: {  	v6 =	vld [tilespmem:s6+$0xC420]  }
0x163: {  	s25 =	simm.s32 $0x400;
	s21 =	simm.s32 $0x8;
	v3 =	vmul.f32 v3, v2  }
0x164: {  	s7 =	sand.u32 $0x3C00, s25;
	s24 =	sand.u32 $0x380, s21;
	v10 =	vld [tilespmem:s6+$0xC450];
	v4 =	vmul.f32 v4, v2  }
0x165: {  	s0 =	sor.u32 s24, s7;
	v11 =	vld [tilespmem:s6+$0xC460];
	v8 =	vmul.f32 v8, v2;
	[tilespmem:s6+$0x18400] =	vst v3;
	s6 =	sadd.s32 $0x14400, s6  }
0x166: {  	v7 =	vld [tilespmem:s0+$0xC470];
	v12 =	vmul.f32 v9, v2;
	[tilespmem:s6+$0x4070] =	vst v4  }
0x167: {  	v3 =	vmul.f32 v5, v2;
	v4 =	vmul.f32 v6, v2;
	v6 =	vld [tilespmem:s0+$0xC400];
	[tilespmem:s6+$0x4030] =	vst v8  }
0x168: {  	v5 =	vld [tilespmem:s0+$0xC410];
	[tilespmem:s6+$0x4040] =	vst v12  }
0x169: {  	v9 =	vmul.f32 v10, v2;
	[tilespmem:s6+$0x4010] =	vst v3;
	v3 =	vld [tilespmem:s0+$0xC420]  }
0x16a: {  	v8 =	vmul.f32 v11, v2;
	[tilespmem:s6+$0x4020] =	vst v4;
	v4 =	vld [tilespmem:s0+$0xC430]  }
.LBB2_9:
0x16b: {  	s21 =	sadd.s32 $0x8, s21;
	v10 =	vld [tilespmem:s0+$0xC440];
	v7 =	vmul.f32 v7, v2;
	s25 =	sadd.s32 $0x400, s25;
	[tilespmem:s6+$0x4050] =	vst v9  }
0x16c: {  	s7 =	sand.u32 $0x3C00, s25;
	s24 =	sand.u32 $0x380, s21;
	v6 =	vmul.f32 v6, v2;
	v9 =	vld [tilespmem:s0+$0xC450];
	[tilespmem:s6+$0x4060] =	vst v8;
	s6 =	sadd.s32 $0x14400, s0  }
0x16d: {  	p0 =	slt.u32 s21, $0x3F8;
	s7 =	sor.u32 s24, s7;
	v5 =	vmul.f32 v5, v2;
	v8 =	vld [tilespmem:s0+$0xC460];
	[tilespmem:s6+$0x4070] =	vst v7  }
.Ltmp5:
0x16e: {  	v7 =	vld [tilespmem:s7+$0xC470];
	[tilespmem:s0+$0x18400] =	vst v6;
	v3 =	vmul.f32 v3, v2;
	s0 =	smov.u32 s7;
	(pc) =	sbr.rel @p0 .LBB2_9-.Ltmp5, $4  }
0x16f: {  	v6 =	vld [tilespmem:s0+$0xC400];
	[tilespmem:s6+$0x4010] =	vst v5;
	v4 =	vmul.f32 v4, v2  }
0x170: {  	v5 =	vld [tilespmem:s0+$0xC410];
	[tilespmem:s6+$0x4020] =	vst v3;
	v10 =	vmul.f32 v10, v2  }
0x171: {  	v3 =	vld [tilespmem:s0+$0xC420];
	[tilespmem:s6+$0x4030] =	vst v4;
	v9 =	vmul.f32 v9, v2  }
0x172: {  	v4 =	vld [tilespmem:s0+$0xC430];
	[tilespmem:s6+$0x4040] =	vst v10;
	v8 =	vmul.f32 v8, v2  }
0x173: {  	v10 =	vld [tilespmem:s0+$0xC440];
	v7 =	vmul.f32 v7, v2;
	[tilespmem:s6+$0x4050] =	vst v9  }
0x174: {  	s7 =	sadd.s32 $0x14400, s0;
	v6 =	vmul.f32 v6, v2;
	[tilespmem:s6+$0x4060] =	vst v8  }
0x175: {  	v5 =	vmul.f32 v5, v2;
	[tilespmem:s7+$0x4070] =	vst v7  }
0x176: {  	v9 =	vld [tilespmem:s0+$0xC450];
	[tilespmem:s0+$0x18400] =	vst v6;
	v3 =	vmul.f32 v3, v2  }
0x177: {  	v8 =	vld [tilespmem:s0+$0xC460];
	[tilespmem:s7+$0x4010] =	vst v5;
	v4 =	vmul.f32 v4, v2  }
0x178: {  	[tilespmem:s7+$0x4020] =	vst v3;
	v3 =	vmul.f32 v10, v2  }
0x179: {  	[tilespmem:s7+$0x4030] =	vst v4  }
0x17a: {  	[tilespmem:s7+$0x4040] =	vst v3  }
0x17b: {  	v4 =	vmul.f32 v9, v2;
	s0 =	rddreg [dreg:$0x9]  }
0x17c: {  	v3 =	vmul.f32 v8, v2;
	s0 =	sadd.s32 s19, s0  }
0x17d: {  	[tilespmem:s7+$0x4050] =	vst v4;
	s0 =	sshll.u32 s0, $0xB  }
0x17e: {  	p0 =	seq.s32 s18, $0xC;
	[tilespmem:s7+$0x4060] =	vst v3;
	s0 =	sadd.s32 s3, s0  }
0x17f: {  	[hbm4b:s0+s4] =	stream.linear.scatter [tilespmem:s22], [sflag:$0x7], $0x4000, $0x38;
	[tilespmem:$0x1C480] =	vst v63  }
0x180: {  	v3 =	vld.msk @!p0 [tilespmem:s20+$0x40], $0xff;
	_ =	sdelay $0x4  }
0x181: {  	v4 =	vshll.u32 @!p0 v3, $0x4  }
0x182: {  	v5 =	vlaneseq.u32 @!p0;
	v3 =	vand.u32 @!p0 $0x7, v3;
	v4 =	vand.u32 @!p0 $0xFFFFFF80, v4  }
0x183: {  	v3 =	vor.u32 @!p0 v3, v4;
	v4 =	vand.u32 @!p0 $0x7, v5;
	v5 =	vshrl.u32 @!p0 v5, $0x3  }
0x184: {  	v3 =	vperm.xlane @!p0 v3, v4;
	v4 =	vmul.u32 @!p0 $0x8, v5;
	_ =	sdelay $0x1  }
0x185: {  	v3 =	vadd.s32 @!p0 v4, v3;
	_ =	sdelay $0x3  }
0x186: {  	vm1 =	vmmov @!p0 $0xffff;
	s6 =	simm.s32 @!p0 $0xC400;
	s0 =	simm.s32 @!p0 $0x0  }
0x187: {  	[tilespmem:s6], [sflag:$0x4] =	stream.indirect_vreg.gather @!p0 [hbm4b:s2+s0], $0x80, v3, vm1, $0xb8;
	[tilespmem:$0x1C480] =	vst v63  }
0x188: {  	s6 =	simm.s32 @!p0 $0xCC00  }
0x189: {  	[tilespmem:s6], [sflag:$0x4] =	stream.indirect_vreg.gather @!p0 [hbm4b:s8+s0], $0x80, v3, vm1, $0xb8;
	[tilespmem:$0x1C480] =	vst v63  }
0x18a: {  	s6 =	simm.s32 @!p0 $0xD400  }
0x18b: {  	[tilespmem:s6], [sflag:$0x4] =	stream.indirect_vreg.gather @!p0 [hbm4b:s9+s0], $0x80, v3, vm1, $0xb8;
	[tilespmem:$0x1C480] =	vst v63  }
0x18c: {  	s6 =	simm.s32 @!p0 $0xDC00  }
0x18d: {  	[tilespmem:s6], [sflag:$0x4] =	stream.indirect_vreg.gather @!p0 [hbm4b:s10+s0], $0x80, v3, vm1, $0xb8;
	[tilespmem:$0x1C480] =	vst v63  }
0x18e: {  	s6 =	simm.s32 @!p0 $0xE400  }
0x18f: {  	[tilespmem:s6], [sflag:$0x4] =	stream.indirect_vreg.gather @!p0 [hbm4b:s11+s0], $0x80, v3, vm1, $0xb8;
	[tilespmem:$0x1C480] =	vst v63  }
0x190: {  	s6 =	simm.s32 @!p0 $0xEC00  }
0x191: {  	[tilespmem:s6], [sflag:$0x4] =	stream.indirect_vreg.gather @!p0 [hbm4b:s12+s0], $0x80, v3, vm1, $0xb8;
	[tilespmem:$0x1C480] =	vst v63  }
0x192: {  	s6 =	simm.s32 @!p0 $0xF400  }
0x193: {  	[tilespmem:s6], [sflag:$0x4] =	stream.indirect_vreg.gather @!p0 [hbm4b:s13+s0], $0x80, v3, vm1, $0xb8;
	[tilespmem:$0x1C480] =	vst v63  }
0x194: {  	s6 =	simm.s32 @!p0 $0xFC00  }
0x195: {  	[tilespmem:s6], [sflag:$0x4] =	stream.indirect_vreg.gather @!p0 [hbm4b:s14+s0], $0x80, v3, vm1, $0xb8;
	[tilespmem:$0x1C480] =	vst v63  }
0x196: {  	_ =	swait.ge [sflag:s17], $0x4000  }
0x197: {  	[sflag:s17] =	ssyncset.done $0x0  }
0x198: {  	[sflag:s17] =	ssyncadd.s32 $0xFFFFC000  }
0x199: {  	s24 =	simm.s32 $0x0;
	s25 =	simm.s32 $0x0;
	_ =	swait.ge [sflag:s5], $0x4000  }
0x19a: {  	s0 =	sand.u32 $0x3C00, s24;
	s6 =	sand.u32 $0x380, s25;
	[sflag:s5] =	ssyncset.done $0x0  }
0x19b: {  	s7 =	sor.u32 s6, s0;
	[sflag:s5] =	ssyncadd.s32 $0xFFFFC000  }
0x19c: {  	v3 =	vld [tilespmem:s7+$0x10470]  }
0x19d: {  	v4 =	vld [tilespmem:s7+$0x10400]  }
0x19e: {  	v5 =	vld [tilespmem:s7+$0x10410]  }
0x19f: {  	v7 =	vld [tilespmem:s7+$0x10420]  }
0x1a0: {  	v8 =	vld [tilespmem:s7+$0x10430]  }
0x1a1: {  	s21 =	simm.s32 $0x8;
	s6 =	simm.s32 $0x400;
	v9 =	vld [tilespmem:s7+$0x10440];
	v3 =	vmul.f32 v3, v2  }
0x1a2: {  	s24 =	sand.u32 $0x380, s21;
	s0 =	sand.u32 $0x3C00, s6;
	s25 =	sadd.s32 $0x14400, s7;
	v10 =	vld [tilespmem:s7+$0x10450];
	v4 =	vmul.f32 v4, v2  }
0x1a3: {  	s0 =	sor.u32 s24, s0;
	v11 =	vld [tilespmem:s7+$0x10460];
	v5 =	vmul.f32 v5, v2;
	[tilespmem:s25+$0x70] =	vst v3  }
0x1a4: {  	v6 =	vld [tilespmem:s0+$0x10470];
	[tilespmem:s7+$0x14400] =	vst v4;
	v3 =	vmul.f32 v7, v2  }
0x1a5: {  	v7 =	vld [tilespmem:s0+$0x10400];
	[tilespmem:s25+$0x10] =	vst v5;
	v4 =	vmul.f32 v8, v2  }
0x1a6: {  	v5 =	vld [tilespmem:s0+$0x10410];
	v8 =	vmul.f32 v9, v2;
	[tilespmem:s25+$0x20] =	vst v3  }
0x1a7: {  	v9 =	vmul.f32 v10, v2;
	v3 =	vld [tilespmem:s0+$0x10420];
	[tilespmem:s25+$0x30] =	vst v4  }
0x1a8: {  	v4 =	vld [tilespmem:s0+$0x10430];
	[tilespmem:s25+$0x40] =	vst v8;
	v8 =	vmul.f32 v11, v2  }
.LBB2_11:
0x1a9: {  	s21 =	sadd.s32 $0x8, s21;
	v10 =	vld [tilespmem:s0+$0x10440];
	v6 =	vmul.f32 v6, v2;
	s6 =	sadd.s32 $0x400, s6;
	[tilespmem:s25+$0x50] =	vst v9  }
0x1aa: {  	s7 =	sand.u32 $0x3C00, s6;
	s24 =	sand.u32 $0x380, s21;
	v7 =	vmul.f32 v7, v2;
	v9 =	vld [tilespmem:s0+$0x10450];
	[tilespmem:s25+$0x60] =	vst v8;
	s25 =	sadd.s32 $0x14400, s0  }
0x1ab: {  	p1 =	slt.u32 s21, $0x3F8;
	s7 =	sor.u32 s24, s7;
	v5 =	vmul.f32 v5, v2;
	v8 =	vld [tilespmem:s0+$0x10460];
	[tilespmem:s25+$0x70] =	vst v6  }
.Ltmp6:
0x1ac: {  	v6 =	vld [tilespmem:s7+$0x10470];
	[tilespmem:s0+$0x14400] =	vst v7;
	v3 =	vmul.f32 v3, v2;
	s0 =	smov.u32 s7;
	(pc) =	sbr.rel @p1 .LBB2_11-.Ltmp6, $4  }
0x1ad: {  	v7 =	vld [tilespmem:s0+$0x10400];
	[tilespmem:s25+$0x10] =	vst v5;
	v4 =	vmul.f32 v4, v2  }
0x1ae: {  	v5 =	vld [tilespmem:s0+$0x10410];
	[tilespmem:s25+$0x20] =	vst v3;
	v10 =	vmul.f32 v10, v2  }
0x1af: {  	v3 =	vld [tilespmem:s0+$0x10420];
	[tilespmem:s25+$0x30] =	vst v4;
	v9 =	vmul.f32 v9, v2  }
0x1b0: {  	v4 =	vld [tilespmem:s0+$0x10430];
	[tilespmem:s25+$0x40] =	vst v10;
	v8 =	vmul.f32 v8, v2  }
0x1b1: {  	v6 =	vmul.f32 v6, v2;
	[tilespmem:s25+$0x50] =	vst v9  }
0x1b2: {  	s6 =	sadd.s32 $0x14400, s0;
	v7 =	vmul.f32 v7, v2;
	[tilespmem:s25+$0x60] =	vst v8  }
0x1b3: {  	v10 =	vld [tilespmem:s0+$0x10440];
	v5 =	vmul.f32 v5, v2;
	[tilespmem:s6+$0x70] =	vst v6  }
0x1b4: {  	v9 =	vld [tilespmem:s0+$0x10450];
	[tilespmem:s0+$0x14400] =	vst v7;
	v3 =	vmul.f32 v3, v2  }
0x1b5: {  	v8 =	vld [tilespmem:s0+$0x10460];
	[tilespmem:s6+$0x10] =	vst v5;
	v4 =	vmul.f32 v4, v2  }
0x1b6: {  	[tilespmem:s6+$0x20] =	vst v3  }
0x1b7: {  	[tilespmem:s6+$0x30] =	vst v4  }
0x1b8: {  	v3 =	vmul.f32 v10, v2;
	s0 =	rddreg [dreg:$0xa]  }
0x1b9: {  	v4 =	vmul.f32 v9, v2;
	s0 =	sadd.s32 s19, s0  }
0x1ba: {  	[tilespmem:s6+$0x40] =	vst v3;
	v3 =	vmul.f32 v8, v2;
	s0 =	sshll.u32 s0, $0xB  }
0x1bb: {  	[tilespmem:s6+$0x50] =	vst v4;
	s0 =	sand.u32 $0x1FFFF000, s0  }
0x1bc: {  	[tilespmem:s6+$0x60] =	vst v3;
	s0 =	sadd.s32 s3, s0  }
0x1bd: {  	[hbm4b:s0+s4] =	stream.linear.scatter [tilespmem:s31], [sflag:$0x6], $0x4000, $0x38;
	[tilespmem:$0x1C480] =	vst v63  }
0x1be: {  	v3 =	vld.msk @!p0 [tilespmem:s20+$0x48], $0xff;
	_ =	sdelay $0x4  }
0x1bf: {  	v4 =	vshll.u32 @!p0 v3, $0x4  }
0x1c0: {  	v5 =	vlaneseq.u32 @!p0;
	v3 =	vand.u32 @!p0 $0x7, v3;
	v4 =	vand.u32 @!p0 $0xFFFFFF80, v4  }
0x1c1: {  	v3 =	vor.u32 @!p0 v3, v4;
	v4 =	vand.u32 @!p0 $0x7, v5;
	v5 =	vshrl.u32 @!p0 v5, $0x3  }
0x1c2: {  	v3 =	vperm.xlane @!p0 v3, v4;
	v4 =	vmul.u32 @!p0 $0x8, v5;
	_ =	sdelay $0x1  }
0x1c3: {  	v3 =	vadd.s32 @!p0 v4, v3;
	_ =	sdelay $0x3  }
0x1c4: {  	s6 =	simm.s32 @!p0 $0x10400;
	s0 =	simm.s32 @!p0 $0x0  }
0x1c5: {  	[tilespmem:s6], [sflag:$0x5] =	stream.indirect_vreg.gather @!p0 [hbm4b:s2+s0], $0x80, v3, vm1, $0xb8;
	[tilespmem:$0x1C480] =	vst v63  }
0x1c6: {  	s6 =	simm.s32 @!p0 $0x10C00  }
0x1c7: {  	[tilespmem:s6], [sflag:$0x5] =	stream.indirect_vreg.gather @!p0 [hbm4b:s8+s0], $0x80, v3, vm1, $0xb8;
	[tilespmem:$0x1C480] =	vst v63  }
0x1c8: {  	s6 =	simm.s32 @!p0 $0x11400  }
0x1c9: {  	[tilespmem:s6], [sflag:$0x5] =	stream.indirect_vreg.gather @!p0 [hbm4b:s9+s0], $0x80, v3, vm1, $0xb8;
	[tilespmem:$0x1C480] =	vst v63  }
0x1ca: {  	s6 =	simm.s32 @!p0 $0x11C00  }
0x1cb: {  	[tilespmem:s6], [sflag:$0x5] =	stream.indirect_vreg.gather @!p0 [hbm4b:s10+s0], $0x80, v3, vm1, $0xb8;
	[tilespmem:$0x1C480] =	vst v63  }
0x1cc: {  	s6 =	simm.s32 @!p0 $0x12400  }
0x1cd: {  	[tilespmem:s6], [sflag:$0x5] =	stream.indirect_vreg.gather @!p0 [hbm4b:s11+s0], $0x80, v3, vm1, $0xb8;
	[tilespmem:$0x1C480] =	vst v63  }
0x1ce: {  	s6 =	simm.s32 @!p0 $0x12C00  }
0x1cf: {  	[tilespmem:s6], [sflag:$0x5] =	stream.indirect_vreg.gather @!p0 [hbm4b:s12+s0], $0x80, v3, vm1, $0xb8;
	[tilespmem:$0x1C480] =	vst v63  }
0x1d0: {  	s6 =	simm.s32 @!p0 $0x13400  }
0x1d1: {  	[tilespmem:s6], [sflag:$0x5] =	stream.indirect_vreg.gather @!p0 [hbm4b:s13+s0], $0x80, v3, vm1, $0xb8;
	[tilespmem:$0x1C480] =	vst v63  }
0x1d2: {  	s6 =	simm.s32 @!p0 $0x13C00  }
0x1d3: {  	[tilespmem:s6], [sflag:$0x5] =	stream.indirect_vreg.gather @!p0 [hbm4b:s14+s0], $0x80, v3, vm1, $0xb8;
	[tilespmem:$0x1C480] =	vst v63  }
0x1d4: {  	_ =	swait.ge [sflag:s30], $0x4000  }
0x1d5: {  	[sflag:s30] =	ssyncset.done $0x0  }
0x1d6: {  	[sflag:s30] =	ssyncadd.s32 $0xFFFFC000  }
0x1d7: {  	s24 =	simm.s32 $0x0;
	s25 =	simm.s32 $0x0;
	_ =	swait.ge [sflag:s16], $0x4000  }
0x1d8: {  	s0 =	sand.u32 $0x3C00, s24;
	s6 =	sand.u32 $0x380, s25;
	[sflag:s16] =	ssyncset.done $0x0  }
0x1d9: {  	s7 =	sor.u32 s6, s0;
	[sflag:s16] =	ssyncadd.s32 $0xFFFFC000  }
0x1da: {  	v3 =	vld [tilespmem:s7+$0x470]  }
0x1db: {  	v4 =	vld [tilespmem:s7+$0x400]  }
0x1dc: {  	v5 =	vld [tilespmem:s7+$0x410]  }
0x1dd: {  	v7 =	vld [tilespmem:s7+$0x420]  }
0x1de: {  	v8 =	vld [tilespmem:s7+$0x430]  }
0x1df: {  	s21 =	simm.s32 $0x8;
	s6 =	simm.s32 $0x400;
	v9 =	vld [tilespmem:s7+$0x440];
	v3 =	vmul.f32 v3, v2  }
0x1e0: {  	s24 =	sand.u32 $0x380, s21;
	s0 =	sand.u32 $0x3C00, s6;
	s25 =	sadd.s32 $0x14400, s7;
	v10 =	vld [tilespmem:s7+$0x450];
	v4 =	vmul.f32 v4, v2  }
0x1e1: {  	s0 =	sor.u32 s24, s0;
	v11 =	vld [tilespmem:s7+$0x460];
	v5 =	vmul.f32 v5, v2;
	[tilespmem:s25+$0x4070] =	vst v3  }
0x1e2: {  	v6 =	vld [tilespmem:s0+$0x470];
	[tilespmem:s7+$0x18400] =	vst v4;
	v3 =	vmul.f32 v7, v2  }
0x1e3: {  	v7 =	vld [tilespmem:s0+$0x400];
	[tilespmem:s25+$0x4010] =	vst v5;
	v4 =	vmul.f32 v8, v2  }
0x1e4: {  	v5 =	vld [tilespmem:s0+$0x410];
	v8 =	vmul.f32 v9, v2;
	[tilespmem:s25+$0x4020] =	vst v3  }
0x1e5: {  	v9 =	vmul.f32 v10, v2;
	v3 =	vld [tilespmem:s0+$0x420];
	[tilespmem:s25+$0x4030] =	vst v4  }
0x1e6: {  	v4 =	vld [tilespmem:s0+$0x430];
	[tilespmem:s25+$0x4040] =	vst v8;
	v8 =	vmul.f32 v11, v2  }
.LBB2_13:
0x1e7: {  	s21 =	sadd.s32 $0x8, s21;
	v10 =	vld [tilespmem:s0+$0x440];
	v6 =	vmul.f32 v6, v2;
	s6 =	sadd.s32 $0x400, s6;
	[tilespmem:s25+$0x4050] =	vst v9  }
0x1e8: {  	s7 =	sand.u32 $0x3C00, s6;
	s24 =	sand.u32 $0x380, s21;
	v7 =	vmul.f32 v7, v2;
	v9 =	vld [tilespmem:s0+$0x450];
	[tilespmem:s25+$0x4060] =	vst v8;
	s25 =	sadd.s32 $0x14400, s0  }
0x1e9: {  	p1 =	slt.u32 s21, $0x3F8;
	s7 =	sor.u32 s24, s7;
	v5 =	vmul.f32 v5, v2;
	v8 =	vld [tilespmem:s0+$0x460];
	[tilespmem:s25+$0x4070] =	vst v6  }
.Ltmp7:
0x1ea: {  	v6 =	vld [tilespmem:s7+$0x470];
	[tilespmem:s0+$0x18400] =	vst v7;
	v3 =	vmul.f32 v3, v2;
	s0 =	smov.u32 s7;
	(pc) =	sbr.rel @p1 .LBB2_13-.Ltmp7, $4  }
0x1eb: {  	v7 =	vld [tilespmem:s0+$0x400];
	[tilespmem:s25+$0x4010] =	vst v5;
	v4 =	vmul.f32 v4, v2  }
0x1ec: {  	v5 =	vld [tilespmem:s0+$0x410];
	[tilespmem:s25+$0x4020] =	vst v3;
	v10 =	vmul.f32 v10, v2  }
0x1ed: {  	v3 =	vld [tilespmem:s0+$0x420];
	[tilespmem:s25+$0x4030] =	vst v4;
	v9 =	vmul.f32 v9, v2  }
0x1ee: {  	v4 =	vld [tilespmem:s0+$0x430];
	[tilespmem:s25+$0x4040] =	vst v10;
	v8 =	vmul.f32 v8, v2  }
0x1ef: {  	v10 =	vld [tilespmem:s0+$0x440];
	v6 =	vmul.f32 v6, v2;
	[tilespmem:s25+$0x4050] =	vst v9  }
0x1f0: {  	s6 =	sadd.s32 $0x14400, s0;
	v7 =	vmul.f32 v7, v2;
	[tilespmem:s25+$0x4060] =	vst v8  }
0x1f1: {  	v5 =	vmul.f32 v5, v2;
	[tilespmem:s6+$0x4070] =	vst v6  }
0x1f2: {  	v9 =	vld [tilespmem:s0+$0x450];
	[tilespmem:s0+$0x18400] =	vst v7;
	v3 =	vmul.f32 v3, v2  }
0x1f3: {  	v8 =	vld [tilespmem:s0+$0x460];
	[tilespmem:s6+$0x4010] =	vst v5;
	v4 =	vmul.f32 v4, v2  }
0x1f4: {  	[tilespmem:s6+$0x4020] =	vst v3;
	v3 =	vmul.f32 v10, v2  }
0x1f5: {  	[tilespmem:s6+$0x4030] =	vst v4  }
0x1f6: {  	[tilespmem:s6+$0x4040] =	vst v3  }
0x1f7: {  	v4 =	vmul.f32 v9, v2;
	s0 =	rddreg [dreg:$0xb]  }
0x1f8: {  	v3 =	vmul.f32 v8, v2;
	s0 =	sadd.s32 s19, s0  }
0x1f9: {  	[tilespmem:s6+$0x4050] =	vst v4;
	s0 =	sshll.u32 s0, $0xB  }
0x1fa: {  	[tilespmem:s6+$0x4060] =	vst v3;
	s0 =	sadd.s32 s3, s0  }
0x1fb: {  	[hbm4b:s0+s4] =	stream.linear.scatter [tilespmem:s22], [sflag:$0x7], $0x4000, $0x38;
	[tilespmem:$0x1C480] =	vst v63  }
0x1fc: {  	v3 =	vld.msk @!p0 [tilespmem:s20+$0x50], $0xff;
	_ =	sdelay $0x4  }
0x1fd: {  	v4 =	vshll.u32 @!p0 v3, $0x4  }
0x1fe: {  	v5 =	vlaneseq.u32 @!p0;
	v3 =	vand.u32 @!p0 $0x7, v3;
	v4 =	vand.u32 @!p0 $0xFFFFFF80, v4  }
0x1ff: {  	v3 =	vor.u32 @!p0 v3, v4;
	v4 =	vand.u32 @!p0 $0x7, v5;
	v5 =	vshrl.u32 @!p0 v5, $0x3  }
0x200: {  	v3 =	vperm.xlane @!p0 v3, v4;
	v4 =	vmul.u32 @!p0 $0x8, v5;
	_ =	sdelay $0x1  }
0x201: {  	v3 =	vadd.s32 @!p0 v4, v3;
	_ =	sdelay $0x3  }
0x202: {  	s6 =	simm.s32 @!p0 $0x400;
	s0 =	simm.s32 @!p0 $0x0  }
0x203: {  	[tilespmem:s6], [sflag:$0x1] =	stream.indirect_vreg.gather @!p0 [hbm4b:s2+s0], $0x80, v3, vm1, $0xb8;
	[tilespmem:$0x1C480] =	vst v63  }
0x204: {  	s6 =	simm.s32 @!p0 $0xC00  }
0x205: {  	[tilespmem:s6], [sflag:$0x1] =	stream.indirect_vreg.gather @!p0 [hbm4b:s8+s0], $0x80, v3, vm1, $0xb8;
	[tilespmem:$0x1C480] =	vst v63  }
0x206: {  	s6 =	simm.s32 @!p0 $0x1400  }
0x207: {  	[tilespmem:s6], [sflag:$0x1] =	stream.indirect_vreg.gather @!p0 [hbm4b:s9+s0], $0x80, v3, vm1, $0xb8;
	[tilespmem:$0x1C480] =	vst v63  }
0x208: {  	s6 =	simm.s32 @!p0 $0x1C00  }
0x209: {  	[tilespmem:s6], [sflag:$0x1] =	stream.indirect_vreg.gather @!p0 [hbm4b:s10+s0], $0x80, v3, vm1, $0xb8;
	[tilespmem:$0x1C480] =	vst v63  }
0x20a: {  	s6 =	simm.s32 @!p0 $0x2400  }
0x20b: {  	[tilespmem:s6], [sflag:$0x1] =	stream.indirect_vreg.gather @!p0 [hbm4b:s11+s0], $0x80, v3, vm1, $0xb8;
	[tilespmem:$0x1C480] =	vst v63  }
0x20c: {  	s6 =	simm.s32 @!p0 $0x2C00  }
0x20d: {  	[tilespmem:s6], [sflag:$0x1] =	stream.indirect_vreg.gather @!p0 [hbm4b:s12+s0], $0x80, v3, vm1, $0xb8;
	[tilespmem:$0x1C480] =	vst v63  }
0x20e: {  	s6 =	simm.s32 @!p0 $0x3400  }
0x20f: {  	[tilespmem:s6], [sflag:$0x1] =	stream.indirect_vreg.gather @!p0 [hbm4b:s13+s0], $0x80, v3, vm1, $0xb8;
	[tilespmem:$0x1C480] =	vst v63  }
0x210: {  	s6 =	simm.s32 @!p0 $0x3C00  }
0x211: {  	[tilespmem:s6], [sflag:$0x1] =	stream.indirect_vreg.gather @!p0 [hbm4b:s14+s0], $0x80, v3, vm1, $0xb8;
	[tilespmem:$0x1C480] =	vst v63  }
0x212: {  	_ =	swait.ge [sflag:s1], $0x4000  }
0x213: {  	[sflag:s1] =	ssyncset.done $0x0  }
0x214: {  	[sflag:s1] =	ssyncadd.s32 $0xFFFFC000  }
0x215: {  	s24 =	simm.s32 $0x0;
	s25 =	simm.s32 $0x0;
	_ =	swait.ge [sflag:s5], $0x4000  }
0x216: {  	s0 =	sand.u32 $0x3C00, s24;
	s6 =	sand.u32 $0x380, s25;
	[sflag:s5] =	ssyncset.done $0x0  }
0x217: {  	s7 =	sor.u32 s6, s0;
	[sflag:s5] =	ssyncadd.s32 $0xFFFFC000  }
0x218: {  	v3 =	vld [tilespmem:s7+$0x4470]  }
0x219: {  	v4 =	vld [tilespmem:s7+$0x4400]  }
0x21a: {  	v5 =	vld [tilespmem:s7+$0x4410]  }
0x21b: {  	v7 =	vld [tilespmem:s7+$0x4420]  }
0x21c: {  	v8 =	vld [tilespmem:s7+$0x4430]  }
0x21d: {  	s21 =	simm.s32 $0x8;
	s6 =	simm.s32 $0x400;
	v9 =	vld [tilespmem:s7+$0x4440];
	v3 =	vmul.f32 v3, v2  }
0x21e: {  	s24 =	sand.u32 $0x380, s21;
	s0 =	sand.u32 $0x3C00, s6;
	s25 =	sadd.s32 $0x14400, s7;
	v10 =	vld [tilespmem:s7+$0x4450];
	v4 =	vmul.f32 v4, v2  }
0x21f: {  	s0 =	sor.u32 s24, s0;
	v11 =	vld [tilespmem:s7+$0x4460];
	v5 =	vmul.f32 v5, v2;
	[tilespmem:s25+$0x70] =	vst v3  }
0x220: {  	v6 =	vld [tilespmem:s0+$0x4470];
	[tilespmem:s7+$0x14400] =	vst v4;
	v3 =	vmul.f32 v7, v2  }
0x221: {  	v7 =	vld [tilespmem:s0+$0x4400];
	[tilespmem:s25+$0x10] =	vst v5;
	v4 =	vmul.f32 v8, v2  }
0x222: {  	v5 =	vld [tilespmem:s0+$0x4410];
	v8 =	vmul.f32 v9, v2;
	[tilespmem:s25+$0x20] =	vst v3  }
0x223: {  	v9 =	vmul.f32 v10, v2;
	v3 =	vld [tilespmem:s0+$0x4420];
	[tilespmem:s25+$0x30] =	vst v4  }
0x224: {  	v4 =	vld [tilespmem:s0+$0x4430];
	[tilespmem:s25+$0x40] =	vst v8;
	v8 =	vmul.f32 v11, v2  }
.LBB2_15:
0x225: {  	s21 =	sadd.s32 $0x8, s21;
	v10 =	vld [tilespmem:s0+$0x4440];
	v6 =	vmul.f32 v6, v2;
	s6 =	sadd.s32 $0x400, s6;
	[tilespmem:s25+$0x50] =	vst v9  }
0x226: {  	s7 =	sand.u32 $0x3C00, s6;
	s24 =	sand.u32 $0x380, s21;
	v7 =	vmul.f32 v7, v2;
	v9 =	vld [tilespmem:s0+$0x4450];
	[tilespmem:s25+$0x60] =	vst v8;
	s25 =	sadd.s32 $0x14400, s0  }
0x227: {  	p1 =	slt.u32 s21, $0x3F8;
	s7 =	sor.u32 s24, s7;
	v5 =	vmul.f32 v5, v2;
	v8 =	vld [tilespmem:s0+$0x4460];
	[tilespmem:s25+$0x70] =	vst v6  }
.Ltmp8:
0x228: {  	v6 =	vld [tilespmem:s7+$0x4470];
	[tilespmem:s0+$0x14400] =	vst v7;
	v3 =	vmul.f32 v3, v2;
	s0 =	smov.u32 s7;
	(pc) =	sbr.rel @p1 .LBB2_15-.Ltmp8, $4  }
0x229: {  	v7 =	vld [tilespmem:s0+$0x4400];
	[tilespmem:s25+$0x10] =	vst v5;
	v4 =	vmul.f32 v4, v2  }
0x22a: {  	v5 =	vld [tilespmem:s0+$0x4410];
	[tilespmem:s25+$0x20] =	vst v3;
	v10 =	vmul.f32 v10, v2  }
0x22b: {  	v3 =	vld [tilespmem:s0+$0x4420];
	[tilespmem:s25+$0x30] =	vst v4;
	v9 =	vmul.f32 v9, v2  }
0x22c: {  	v4 =	vld [tilespmem:s0+$0x4430];
	[tilespmem:s25+$0x40] =	vst v10;
	v8 =	vmul.f32 v8, v2  }
0x22d: {  	v6 =	vmul.f32 v6, v2;
	[tilespmem:s25+$0x50] =	vst v9  }
0x22e: {  	s6 =	sadd.s32 $0x14400, s0;
	v7 =	vmul.f32 v7, v2;
	[tilespmem:s25+$0x60] =	vst v8  }
0x22f: {  	v10 =	vld [tilespmem:s0+$0x4440];
	v5 =	vmul.f32 v5, v2;
	[tilespmem:s6+$0x70] =	vst v6  }
0x230: {  	v9 =	vld [tilespmem:s0+$0x4450];
	[tilespmem:s0+$0x14400] =	vst v7;
	v3 =	vmul.f32 v3, v2  }
0x231: {  	v8 =	vld [tilespmem:s0+$0x4460];
	[tilespmem:s6+$0x10] =	vst v5;
	v4 =	vmul.f32 v4, v2  }
0x232: {  	[tilespmem:s6+$0x20] =	vst v3  }
0x233: {  	[tilespmem:s6+$0x30] =	vst v4  }
0x234: {  	v3 =	vmul.f32 v10, v2;
	s0 =	rddreg [dreg:$0xc]  }
0x235: {  	v4 =	vmul.f32 v9, v2;
	s0 =	sadd.s32 s19, s0  }
0x236: {  	[tilespmem:s6+$0x40] =	vst v3;
	v3 =	vmul.f32 v8, v2;
	s0 =	sshll.u32 s0, $0xB  }
0x237: {  	[tilespmem:s6+$0x50] =	vst v4;
	s0 =	sand.u32 $0x1FFFF000, s0  }
0x238: {  	[tilespmem:s6+$0x60] =	vst v3;
	s0 =	sadd.s32 s3, s0  }
0x239: {  	[hbm4b:s0+s4] =	stream.linear.scatter [tilespmem:s31], [sflag:$0x6], $0x4000, $0x38;
	[tilespmem:$0x1C480] =	vst v63  }
0x23a: {  	v3 =	vld.msk @!p0 [tilespmem:s20+$0x58], $0xff;
	_ =	sdelay $0x4  }
0x23b: {  	v4 =	vshll.u32 @!p0 v3, $0x4  }
0x23c: {  	v5 =	vlaneseq.u32 @!p0;
	v3 =	vand.u32 @!p0 $0x7, v3;
	v4 =	vand.u32 @!p0 $0xFFFFFF80, v4  }
0x23d: {  	v3 =	vor.u32 @!p0 v3, v4;
	v4 =	vand.u32 @!p0 $0x7, v5;
	v5 =	vshrl.u32 @!p0 v5, $0x3  }
0x23e: {  	v3 =	vperm.xlane @!p0 v3, v4;
	v4 =	vmul.u32 @!p0 $0x8, v5;
	_ =	sdelay $0x1  }
0x23f: {  	v3 =	vadd.s32 @!p0 v4, v3;
	_ =	sdelay $0x3  }
0x240: {  	s6 =	simm.s32 @!p0 $0x4400;
	s0 =	simm.s32 @!p0 $0x0  }
0x241: {  	[tilespmem:s6], [sflag:$0x2] =	stream.indirect_vreg.gather @!p0 [hbm4b:s2+s0], $0x80, v3, vm1, $0xb8;
	[tilespmem:$0x1C480] =	vst v63  }
0x242: {  	s6 =	simm.s32 @!p0 $0x4C00  }
0x243: {  	[tilespmem:s6], [sflag:$0x2] =	stream.indirect_vreg.gather @!p0 [hbm4b:s8+s0], $0x80, v3, vm1, $0xb8;
	[tilespmem:$0x1C480] =	vst v63  }
0x244: {  	s6 =	simm.s32 @!p0 $0x5400  }
0x245: {  	[tilespmem:s6], [sflag:$0x2] =	stream.indirect_vreg.gather @!p0 [hbm4b:s9+s0], $0x80, v3, vm1, $0xb8;
	[tilespmem:$0x1C480] =	vst v63  }
0x246: {  	s6 =	simm.s32 @!p0 $0x5C00  }
0x247: {  	[tilespmem:s6], [sflag:$0x2] =	stream.indirect_vreg.gather @!p0 [hbm4b:s10+s0], $0x80, v3, vm1, $0xb8;
	[tilespmem:$0x1C480] =	vst v63  }
0x248: {  	s6 =	simm.s32 @!p0 $0x6400  }
0x249: {  	[tilespmem:s6], [sflag:$0x2] =	stream.indirect_vreg.gather @!p0 [hbm4b:s11+s0], $0x80, v3, vm1, $0xb8;
	[tilespmem:$0x1C480] =	vst v63  }
0x24a: {  	s6 =	simm.s32 @!p0 $0x6C00  }
0x24b: {  	[tilespmem:s6], [sflag:$0x2] =	stream.indirect_vreg.gather @!p0 [hbm4b:s12+s0], $0x80, v3, vm1, $0xb8;
	[tilespmem:$0x1C480] =	vst v63  }
0x24c: {  	s6 =	simm.s32 @!p0 $0x7400  }
0x24d: {  	[tilespmem:s6], [sflag:$0x2] =	stream.indirect_vreg.gather @!p0 [hbm4b:s13+s0], $0x80, v3, vm1, $0xb8;
	[tilespmem:$0x1C480] =	vst v63  }
0x24e: {  	s6 =	simm.s32 @!p0 $0x7C00  }
0x24f: {  	[tilespmem:s6], [sflag:$0x2] =	stream.indirect_vreg.gather @!p0 [hbm4b:s14+s0], $0x80, v3, vm1, $0xb8;
	[tilespmem:$0x1C480] =	vst v63  }
0x250: {  	_ =	swait.ge [sflag:s23], $0x4000  }
0x251: {  	[sflag:s23] =	ssyncset.done $0x0  }
0x252: {  	[sflag:s23] =	ssyncadd.s32 $0xFFFFC000  }
0x253: {  	s24 =	simm.s32 $0x0;
	s25 =	simm.s32 $0x0;
	_ =	swait.ge [sflag:s16], $0x4000  }
0x254: {  	s0 =	sand.u32 $0x3C00, s24;
	s6 =	sand.u32 $0x380, s25;
	[sflag:s16] =	ssyncset.done $0x0  }
0x255: {  	s7 =	sor.u32 s6, s0;
	[sflag:s16] =	ssyncadd.s32 $0xFFFFC000  }
0x256: {  	v3 =	vld [tilespmem:s7+$0x8470]  }
0x257: {  	v4 =	vld [tilespmem:s7+$0x8400]  }
0x258: {  	v5 =	vld [tilespmem:s7+$0x8410]  }
0x259: {  	v7 =	vld [tilespmem:s7+$0x8420]  }
0x25a: {  	v8 =	vld [tilespmem:s7+$0x8430]  }
0x25b: {  	s21 =	simm.s32 $0x8;
	s6 =	simm.s32 $0x400;
	v9 =	vld [tilespmem:s7+$0x8440];
	v3 =	vmul.f32 v3, v2  }
0x25c: {  	s24 =	sand.u32 $0x380, s21;
	s0 =	sand.u32 $0x3C00, s6;
	s25 =	sadd.s32 $0x14400, s7;
	v10 =	vld [tilespmem:s7+$0x8450];
	v4 =	vmul.f32 v4, v2  }
0x25d: {  	s0 =	sor.u32 s24, s0;
	v11 =	vld [tilespmem:s7+$0x8460];
	v5 =	vmul.f32 v5, v2;
	[tilespmem:s25+$0x4070] =	vst v3  }
0x25e: {  	v6 =	vld [tilespmem:s0+$0x8470];
	[tilespmem:s7+$0x18400] =	vst v4;
	v3 =	vmul.f32 v7, v2  }
0x25f: {  	v7 =	vld [tilespmem:s0+$0x8400];
	[tilespmem:s25+$0x4010] =	vst v5;
	v4 =	vmul.f32 v8, v2  }
0x260: {  	v5 =	vld [tilespmem:s0+$0x8410];
	v8 =	vmul.f32 v9, v2;
	[tilespmem:s25+$0x4020] =	vst v3  }
0x261: {  	v9 =	vmul.f32 v10, v2;
	v3 =	vld [tilespmem:s0+$0x8420];
	[tilespmem:s25+$0x4030] =	vst v4  }
0x262: {  	v4 =	vld [tilespmem:s0+$0x8430];
	[tilespmem:s25+$0x4040] =	vst v8;
	v8 =	vmul.f32 v11, v2  }
.LBB2_17:
0x263: {  	s21 =	sadd.s32 $0x8, s21;
	v10 =	vld [tilespmem:s0+$0x8440];
	v6 =	vmul.f32 v6, v2;
	s6 =	sadd.s32 $0x400, s6;
	[tilespmem:s25+$0x4050] =	vst v9  }
0x264: {  	s7 =	sand.u32 $0x3C00, s6;
	s24 =	sand.u32 $0x380, s21;
	v7 =	vmul.f32 v7, v2;
	v9 =	vld [tilespmem:s0+$0x8450];
	[tilespmem:s25+$0x4060] =	vst v8;
	s25 =	sadd.s32 $0x14400, s0  }
0x265: {  	p1 =	slt.u32 s21, $0x3F8;
	s7 =	sor.u32 s24, s7;
	v5 =	vmul.f32 v5, v2;
	v8 =	vld [tilespmem:s0+$0x8460];
	[tilespmem:s25+$0x4070] =	vst v6  }
.Ltmp9:
0x266: {  	v6 =	vld [tilespmem:s7+$0x8470];
	[tilespmem:s0+$0x18400] =	vst v7;
	v3 =	vmul.f32 v3, v2;
	s0 =	smov.u32 s7;
	(pc) =	sbr.rel @p1 .LBB2_17-.Ltmp9, $4  }
0x267: {  	v7 =	vld [tilespmem:s0+$0x8400];
	[tilespmem:s25+$0x4010] =	vst v5;
	v4 =	vmul.f32 v4, v2  }
0x268: {  	v5 =	vld [tilespmem:s0+$0x8410];
	[tilespmem:s25+$0x4020] =	vst v3;
	v10 =	vmul.f32 v10, v2  }
0x269: {  	v3 =	vld [tilespmem:s0+$0x8420];
	[tilespmem:s25+$0x4030] =	vst v4;
	v9 =	vmul.f32 v9, v2  }
0x26a: {  	v4 =	vld [tilespmem:s0+$0x8430];
	[tilespmem:s25+$0x4040] =	vst v10;
	v8 =	vmul.f32 v8, v2  }
0x26b: {  	v10 =	vld [tilespmem:s0+$0x8440];
	v6 =	vmul.f32 v6, v2;
	[tilespmem:s25+$0x4050] =	vst v9  }
0x26c: {  	s6 =	sadd.s32 $0x14400, s0;
	v7 =	vmul.f32 v7, v2;
	[tilespmem:s25+$0x4060] =	vst v8  }
0x26d: {  	v5 =	vmul.f32 v5, v2;
	[tilespmem:s6+$0x4070] =	vst v6  }
0x26e: {  	v61 =	vld [tilespmem:s0+$0x8450];
	[tilespmem:s0+$0x18400] =	vst v7;
	v3 =	vmul.f32 v3, v2  }
0x26f: {  	v62 =	vld [tilespmem:s0+$0x8460];
	[tilespmem:s6+$0x4010] =	vst v5;
	v4 =	vmul.f32 v4, v2  }
0x270: {  	[tilespmem:s6+$0x4020] =	vst v3;
	v3 =	vmul.f32 v10, v2  }
0x271: {  	[tilespmem:s6+$0x4030] =	vst v4  }
0x272: {  	[tilespmem:s6+$0x4040] =	vst v3  }
.Ltmp10:
0x273: {  	v63 =	vmul.f32 v61, v2;
	s0 =	rddreg [dreg:$0xd];
	(pc) =	sbr.rel @p0 .LBB2_24-.Ltmp10, $4  }
0x274: {  	v3 =	vmul.f32 v62, v2;
	s0 =	sadd.s32 s19, s0  }
0x275: {  	[tilespmem:s6+$0x4050] =	vst v63;
	s0 =	sshll.u32 s0, $0xB  }
0x276: {  	[tilespmem:s6+$0x4060] =	vst v3;
	s0 =	sadd.s32 s3, s0  }
0x277: {  	[hbm4b:s0+s4] =	stream.linear.scatter [tilespmem:s22], [sflag:$0x7], $0x4000, $0x38;
	[tilespmem:$0x1C480] =	vst v63  }
0x278: {  	v3 =	vld.msk [tilespmem:s20+$0x60], $0xff;
	_ =	sdelay $0x4  }
0x279: {  	v4 =	vshll.u32 v3, $0x4  }
0x27a: {  	v3 =	vand.u32 $0x7, v3;
	v4 =	vand.u32 $0xFFFFFF80, v4  }
0x27b: {  	v3 =	vor.u32 v3, v4  }
0x27c: {  	v3 =	vperm.xlane v3, v0;
	_ =	sdelay $0x1  }
0x27d: {  	v3 =	vadd.s32 v1, v3;
	_ =	sdelay $0x3  }
0x27e: {  	s0 =	simm.s32 $0x0;
	s6 =	simm.s32 $0x8400  }
0x27f: {  	[tilespmem:s6], [sflag:$0x3] =	stream.indirect_vreg.gather [hbm4b:s2+s0], $0x80, v3, vm0, $0xb8;
	[tilespmem:$0x1C480] =	vst v63  }
0x280: {  	s25 =	simm.s32 $0x8C00  }
0x281: {  	[tilespmem:s25], [sflag:$0x3] =	stream.indirect_vreg.gather [hbm4b:s8+s0], $0x80, v3, vm0, $0xb8;
	[tilespmem:$0x1C480] =	vst v63  }
0x282: {  	s7 =	simm.s32 $0x9400  }
0x283: {  	[tilespmem:s7], [sflag:$0x3] =	stream.indirect_vreg.gather [hbm4b:s9+s0], $0x80, v3, vm0, $0xb8;
	[tilespmem:$0x1C480] =	vst v63  }
0x284: {  	s21 =	simm.s32 $0x9C00  }
0x285: {  	[tilespmem:s21], [sflag:$0x3] =	stream.indirect_vreg.gather [hbm4b:s10+s0], $0x80, v3, vm0, $0xb8;
	[tilespmem:$0x1C480] =	vst v63  }
0x286: {  	s24 =	simm.s32 $0xA400  }
0x287: {  	[tilespmem:s24], [sflag:$0x3] =	stream.indirect_vreg.gather [hbm4b:s11+s0], $0x80, v3, vm0, $0xb8;
	[tilespmem:$0x1C480] =	vst v63  }
0x288: {  	_ = 	snop  }
0x289: {  	[tilespmem:s26], [sflag:$0x3] =	stream.indirect_vreg.gather [hbm4b:s12+s0], $0x80, v3, vm0, $0xb8;
	[tilespmem:$0x1C480] =	vst v63  }
0x28a: {  	_ = 	snop  }
0x28b: {  	[tilespmem:s28], [sflag:$0x3] =	stream.indirect_vreg.gather [hbm4b:s13+s0], $0x80, v3, vm0, $0xb8;
	[tilespmem:$0x1C480] =	vst v63  }
0x28c: {  	_ = 	snop  }
0x28d: {  	[tilespmem:s29], [sflag:$0x3] =	stream.indirect_vreg.gather [hbm4b:s14+s0], $0x80, v3, vm0, $0xb8;
	[tilespmem:$0x1C480] =	vst v63  }
0x28e: {  	_ =	swait.ge [sflag:s15], $0x4000  }
0x28f: {  	[sflag:s15] =	ssyncset.done $0x0  }
0x290: {  	[sflag:s15] =	ssyncadd.s32 $0xFFFFC000  }
0x291: {  	s25 =	simm.s32 $0x0;
	_ =	swait.ge [sflag:s5], $0x4000  }
0x292: {  	s6 =	sand.u32 $0x380, s25;
	s0 =	sand.u32 $0x3C00, s0;
	[sflag:s5] =	ssyncset.done $0x0  }
0x293: {  	s7 =	sor.u32 s6, s0;
	[sflag:s5] =	ssyncadd.s32 $0xFFFFC000  }
0x294: {  	v3 =	vld [tilespmem:s7+$0xC470]  }
0x295: {  	v4 =	vld [tilespmem:s7+$0xC400]  }
0x296: {  	v5 =	vld [tilespmem:s7+$0xC410]  }
0x297: {  	v7 =	vld [tilespmem:s7+$0xC420]  }
0x298: {  	v8 =	vld [tilespmem:s7+$0xC430]  }
0x299: {  	s21 =	simm.s32 $0x8;
	s6 =	simm.s32 $0x400;
	v9 =	vld [tilespmem:s7+$0xC440];
	v3 =	vmul.f32 v3, v2  }
0x29a: {  	s24 =	sand.u32 $0x380, s21;
	s0 =	sand.u32 $0x3C00, s6;
	s25 =	sadd.s32 $0x14400, s7;
	v10 =	vld [tilespmem:s7+$0xC450];
	v4 =	vmul.f32 v4, v2  }
0x29b: {  	s0 =	sor.u32 s24, s0;
	v11 =	vld [tilespmem:s7+$0xC460];
	v5 =	vmul.f32 v5, v2;
	[tilespmem:s25+$0x70] =	vst v3  }
0x29c: {  	v6 =	vld [tilespmem:s0+$0xC470];
	[tilespmem:s7+$0x14400] =	vst v4;
	v3 =	vmul.f32 v7, v2  }
0x29d: {  	v7 =	vld [tilespmem:s0+$0xC400];
	[tilespmem:s25+$0x10] =	vst v5;
	v4 =	vmul.f32 v8, v2  }
0x29e: {  	v5 =	vld [tilespmem:s0+$0xC410];
	v8 =	vmul.f32 v9, v2;
	[tilespmem:s25+$0x20] =	vst v3  }
0x29f: {  	v9 =	vmul.f32 v10, v2;
	v3 =	vld [tilespmem:s0+$0xC420];
	[tilespmem:s25+$0x30] =	vst v4  }
0x2a0: {  	v4 =	vld [tilespmem:s0+$0xC430];
	[tilespmem:s25+$0x40] =	vst v8;
	v8 =	vmul.f32 v11, v2  }
.LBB2_20:
0x2a1: {  	s21 =	sadd.s32 $0x8, s21;
	v10 =	vld [tilespmem:s0+$0xC440];
	v6 =	vmul.f32 v6, v2;
	s6 =	sadd.s32 $0x400, s6;
	[tilespmem:s25+$0x50] =	vst v9  }
0x2a2: {  	s7 =	sand.u32 $0x3C00, s6;
	s24 =	sand.u32 $0x380, s21;
	v7 =	vmul.f32 v7, v2;
	v9 =	vld [tilespmem:s0+$0xC450];
	[tilespmem:s25+$0x60] =	vst v8;
	s25 =	sadd.s32 $0x14400, s0  }
0x2a3: {  	p0 =	slt.u32 s21, $0x3F8;
	s7 =	sor.u32 s24, s7;
	v5 =	vmul.f32 v5, v2;
	v8 =	vld [tilespmem:s0+$0xC460];
	[tilespmem:s25+$0x70] =	vst v6  }
.Ltmp11:
0x2a4: {  	v6 =	vld [tilespmem:s7+$0xC470];
	[tilespmem:s0+$0x14400] =	vst v7;
	v3 =	vmul.f32 v3, v2;
	s0 =	smov.u32 s7;
	(pc) =	sbr.rel @p0 .LBB2_20-.Ltmp11, $4  }
0x2a5: {  	v7 =	vld [tilespmem:s0+$0xC400];
	[tilespmem:s25+$0x10] =	vst v5;
	v4 =	vmul.f32 v4, v2  }
0x2a6: {  	v5 =	vld [tilespmem:s0+$0xC410];
	[tilespmem:s25+$0x20] =	vst v3;
	v10 =	vmul.f32 v10, v2  }
0x2a7: {  	v3 =	vld [tilespmem:s0+$0xC420];
	[tilespmem:s25+$0x30] =	vst v4;
	v9 =	vmul.f32 v9, v2  }
0x2a8: {  	v4 =	vld [tilespmem:s0+$0xC430];
	[tilespmem:s25+$0x40] =	vst v10;
	v8 =	vmul.f32 v8, v2  }
0x2a9: {  	v6 =	vmul.f32 v6, v2;
	[tilespmem:s25+$0x50] =	vst v9  }
0x2aa: {  	s6 =	sadd.s32 $0x14400, s0;
	v7 =	vmul.f32 v7, v2;
	[tilespmem:s25+$0x60] =	vst v8  }
0x2ab: {  	v10 =	vld [tilespmem:s0+$0xC440];
	v5 =	vmul.f32 v5, v2;
	[tilespmem:s6+$0x70] =	vst v6  }
0x2ac: {  	v9 =	vld [tilespmem:s0+$0xC450];
	[tilespmem:s0+$0x14400] =	vst v7;
	v3 =	vmul.f32 v3, v2  }
0x2ad: {  	v8 =	vld [tilespmem:s0+$0xC460];
	[tilespmem:s6+$0x10] =	vst v5;
	v4 =	vmul.f32 v4, v2  }
0x2ae: {  	[tilespmem:s6+$0x20] =	vst v3  }
0x2af: {  	[tilespmem:s6+$0x30] =	vst v4  }
0x2b0: {  	v3 =	vmul.f32 v10, v2;
	s0 =	rddreg [dreg:$0xe]  }
0x2b1: {  	v4 =	vmul.f32 v9, v2;
	s0 =	sadd.s32 s19, s0  }
0x2b2: {  	[tilespmem:s6+$0x40] =	vst v3;
	v3 =	vmul.f32 v8, v2;
	s0 =	sshll.u32 s0, $0xB  }
0x2b3: {  	[tilespmem:s6+$0x50] =	vst v4;
	s0 =	sand.u32 $0x1FFFF000, s0  }
0x2b4: {  	[tilespmem:s6+$0x60] =	vst v3;
	s6 =	simm.s32 $0x0;
	s0 =	sadd.s32 s3, s0  }
0x2b5: {  	[hbm4b:s0+s6] =	stream.linear.scatter [tilespmem:s31], [sflag:$0x6], $0x4000, $0x38;
	[tilespmem:$0x1C480] =	vst v63  }
0x2b6: {  	v3 =	vld.msk [tilespmem:s20+$0x68], $0xff;
	_ =	sdelay $0x4  }
0x2b7: {  	v4 =	vshll.u32 v3, $0x4  }
0x2b8: {  	v3 =	vand.u32 $0x7, v3;
	v4 =	vand.u32 $0xFFFFFF80, v4  }
0x2b9: {  	v3 =	vor.u32 v3, v4  }
0x2ba: {  	v3 =	vperm.xlane v3, v0;
	_ =	sdelay $0x1  }
0x2bb: {  	v3 =	vadd.s32 v1, v3;
	_ =	sdelay $0x3  }
0x2bc: {  	s7 =	simm.s32 $0xC400  }
0x2bd: {  	[tilespmem:s7], [sflag:$0x4] =	stream.indirect_vreg.gather [hbm4b:s2+s6], $0x80, v3, vm0, $0xb8;
	[tilespmem:$0x1C480] =	vst v63  }
0x2be: {  	s20 =	simm.s32 $0xCC00  }
0x2bf: {  	[tilespmem:s20], [sflag:$0x4] =	stream.indirect_vreg.gather [hbm4b:s8+s6], $0x80, v3, vm0, $0xb8;
	[tilespmem:$0x1C480] =	vst v63  }
0x2c0: {  	s21 =	simm.s32 $0xD400  }
0x2c1: {  	[tilespmem:s21], [sflag:$0x4] =	stream.indirect_vreg.gather [hbm4b:s9+s6], $0x80, v3, vm0, $0xb8;
	[tilespmem:$0x1C480] =	vst v63  }
0x2c2: {  	s24 =	simm.s32 $0xDC00  }
0x2c3: {  	[tilespmem:s24], [sflag:$0x4] =	stream.indirect_vreg.gather [hbm4b:s10+s6], $0x80, v3, vm0, $0xb8;
	[tilespmem:$0x1C480] =	vst v63  }
0x2c4: {  	s25 =	simm.s32 $0xE400  }
0x2c5: {  	[tilespmem:s25], [sflag:$0x4] =	stream.indirect_vreg.gather [hbm4b:s11+s6], $0x80, v3, vm0, $0xb8;
	[tilespmem:$0x1C480] =	vst v63  }
0x2c6: {  	s7 =	simm.s32 $0xEC00  }
0x2c7: {  	[tilespmem:s7], [sflag:$0x4] =	stream.indirect_vreg.gather [hbm4b:s12+s6], $0x80, v3, vm0, $0xb8;
	[tilespmem:$0x1C480] =	vst v63  }
0x2c8: {  	s20 =	simm.s32 $0xF400  }
0x2c9: {  	[tilespmem:s20], [sflag:$0x4] =	stream.indirect_vreg.gather [hbm4b:s13+s6], $0x80, v3, vm0, $0xb8;
	[tilespmem:$0x1C480] =	vst v63  }
0x2ca: {  	s21 =	simm.s32 $0xFC00  }
0x2cb: {  	[tilespmem:s21], [sflag:$0x4] =	stream.indirect_vreg.gather [hbm4b:s14+s6], $0x80, v3, vm0, $0xb8;
	[tilespmem:$0x1C480] =	vst v63  }
0x2cc: {  	_ =	swait.ge [sflag:s17], $0x4000  }
0x2cd: {  	[sflag:s17] =	ssyncset.done $0x0  }
0x2ce: {  	[sflag:s17] =	ssyncadd.s32 $0xFFFFC000  }
0x2cf: {  	s24 =	simm.s32 $0x0;
	_ =	swait.ge [sflag:s16], $0x4000  }
0x2d0: {  	s0 =	sand.u32 $0x380, s24;
	s6 =	sand.u32 $0x3C00, s6;
	[sflag:s16] =	ssyncset.done $0x0  }
0x2d1: {  	s6 =	sor.u32 s0, s6;
	[sflag:s16] =	ssyncadd.s32 $0xFFFFC000  }
0x2d2: {  	v3 =	vld [tilespmem:s6+$0x10400]  }
0x2d3: {  	v4 =	vld [tilespmem:s6+$0x10470]  }
0x2d4: {  	v5 =	vld [tilespmem:s6+$0x10410]  }
0x2d5: {  	v8 =	vld [tilespmem:s6+$0x10430]  }
0x2d6: {  	v9 =	vld [tilespmem:s6+$0x10440]  }
0x2d7: {  	v6 =	vld [tilespmem:s6+$0x10420]  }
0x2d8: {  	s20 =	simm.s32 $0x8;
	s21 =	simm.s32 $0x400;
	v3 =	vmul.f32 v3, v2  }
0x2d9: {  	s7 =	sand.u32 $0x380, s20;
	s25 =	sand.u32 $0x3C00, s21;
	v10 =	vld [tilespmem:s6+$0x10450];
	v4 =	vmul.f32 v4, v2  }
0x2da: {  	s0 =	sor.u32 s7, s25;
	v11 =	vld [tilespmem:s6+$0x10460];
	v8 =	vmul.f32 v8, v2;
	[tilespmem:s6+$0x18400] =	vst v3;
	s6 =	sadd.s32 $0x14400, s6  }
0x2db: {  	v7 =	vld [tilespmem:s0+$0x10470];
	v12 =	vmul.f32 v9, v2;
	[tilespmem:s6+$0x4070] =	vst v4  }
0x2dc: {  	v3 =	vmul.f32 v5, v2;
	v4 =	vmul.f32 v6, v2;
	v6 =	vld [tilespmem:s0+$0x10400];
	[tilespmem:s6+$0x4030] =	vst v8  }
0x2dd: {  	v5 =	vld [tilespmem:s0+$0x10410];
	[tilespmem:s6+$0x4040] =	vst v12  }
0x2de: {  	v9 =	vmul.f32 v10, v2;
	[tilespmem:s6+$0x4010] =	vst v3;
	v3 =	vld [tilespmem:s0+$0x10420]  }
0x2df: {  	v8 =	vmul.f32 v11, v2;
	[tilespmem:s6+$0x4020] =	vst v4;
	v4 =	vld [tilespmem:s0+$0x10430]  }
.LBB2_22:
0x2e0: {  	s20 =	sadd.s32 $0x8, s20;
	v10 =	vld [tilespmem:s0+$0x10440];
	v7 =	vmul.f32 v7, v2;
	s21 =	sadd.s32 $0x400, s21;
	[tilespmem:s6+$0x4050] =	vst v9  }
0x2e1: {  	s7 =	sand.u32 $0x3C00, s21;
	s24 =	sand.u32 $0x380, s20;
	v6 =	vmul.f32 v6, v2;
	v9 =	vld [tilespmem:s0+$0x10450];
	[tilespmem:s6+$0x4060] =	vst v8;
	s6 =	sadd.s32 $0x14400, s0  }
0x2e2: {  	p0 =	slt.u32 s20, $0x3F8;
	s7 =	sor.u32 s24, s7;
	v5 =	vmul.f32 v5, v2;
	v8 =	vld [tilespmem:s0+$0x10460];
	[tilespmem:s6+$0x4070] =	vst v7  }
.Ltmp12:
0x2e3: {  	v7 =	vld [tilespmem:s7+$0x10470];
	[tilespmem:s0+$0x18400] =	vst v6;
	v3 =	vmul.f32 v3, v2;
	s0 =	smov.u32 s7;
	(pc) =	sbr.rel @p0 .LBB2_22-.Ltmp12, $4  }
0x2e4: {  	v6 =	vld [tilespmem:s0+$0x10400];
	[tilespmem:s6+$0x4010] =	vst v5;
	v4 =	vmul.f32 v4, v2  }
0x2e5: {  	v5 =	vld [tilespmem:s0+$0x10410];
	[tilespmem:s6+$0x4020] =	vst v3;
	v10 =	vmul.f32 v10, v2  }
0x2e6: {  	v3 =	vld [tilespmem:s0+$0x10420];
	[tilespmem:s6+$0x4030] =	vst v4;
	v9 =	vmul.f32 v9, v2  }
0x2e7: {  	v4 =	vld [tilespmem:s0+$0x10430];
	[tilespmem:s6+$0x4040] =	vst v10;
	v8 =	vmul.f32 v8, v2  }
0x2e8: {  	v10 =	vld [tilespmem:s0+$0x10440];
	v7 =	vmul.f32 v7, v2;
	[tilespmem:s6+$0x4050] =	vst v9  }
0x2e9: {  	s7 =	sadd.s32 $0x14400, s0;
	v6 =	vmul.f32 v6, v2;
	[tilespmem:s6+$0x4060] =	vst v8  }
0x2ea: {  	v5 =	vmul.f32 v5, v2;
	[tilespmem:s7+$0x4070] =	vst v7  }
0x2eb: {  	v61 =	vld [tilespmem:s0+$0x10450];
	[tilespmem:s0+$0x18400] =	vst v6;
	v3 =	vmul.f32 v3, v2  }
0x2ec: {  	v62 =	vld [tilespmem:s0+$0x10460];
	[tilespmem:s7+$0x4010] =	vst v5;
	v4 =	vmul.f32 v4, v2  }
0x2ed: {  	[tilespmem:s7+$0x4020] =	vst v3;
	v3 =	vmul.f32 v10, v2  }
0x2ee: {  	[tilespmem:s7+$0x4030] =	vst v4  }
0x2ef: {  	[tilespmem:s7+$0x4040] =	vst v3  }
.Ltmp13:
0x2f0: {  	v63 =	vmul.f32 v61, v2;
	s0 =	rddreg [dreg:$0xf];
	(pc) =	sbr.rel .LBB2_2-.Ltmp13, $4  }
0x2f1: {  	v3 =	vmul.f32 v62, v2;
	s0 =	sadd.s32 s19, s0  }
0x2f2: {  	[tilespmem:s7+$0x4050] =	vst v63;
	s0 =	sshll.u32 s0, $0xB  }
0x2f3: {  	s18 =	sadd.s32 $0x1, s18;
	[tilespmem:s7+$0x4060] =	vst v3;
	s0 =	sadd.s32 s3, s0  }
0x2f4: {  	[hbm4b:s0+s4] =	stream.linear.scatter [tilespmem:s22], [sflag:$0x7], $0x4000, $0x38;
	[tilespmem:$0x1C480] =	vst v63  }
.LBB2_25:
0x2f5: {  	_ =	sfence.sel $0x180000  }
0x2f6: {  	[bflag:$0x0] =	sbarrier.arrive $0xFFFF  }
0x2f7: {  	_ =	strace $0x90000047  }
0x2f8: {  	s0 =	stileid.u32;
	[bflag:$0x2] =	sbarrier.arrive $0xFFFF  }
0x2f9: {  	p0 =	sne.s32 s0, $0x0;
	s0 =	rddreg [dreg:$0x3]  }
0x2fa: {  	s0 =	sadd.s32 @!p0 $0x100000, s0  }
0x2fb: {  	[sflag:s0] =	ssyncadd.tile.s32 @!p0 $0x1;
	_ =	shalt  }
.Lfunc_end2:
_tile_overlayer_lowered:
.L_overlay_start_2:
0x2fc: {  	(tag) =	ssettag $0x2  }
0x2fd: {  	s0 =	rddreg [dreg:$0x0];
	s2 =	stileid.u32  }
0x2fe: {  	s1 =	rddreg [dreg:$0x1];
	p0 =	sne.s32 s2, $0x0  }
0x2ff: {  	s3 =	rddreg [dreg:$0x2];
	[bflag:$0x3] =	sbarrier.arrive $0xFFFF;
	s2 =	simm.s32 @!p0 $0x1C08  }
0x300: {  	[timem:s3], [sflag:s2] =	dma.local @!p0 [hbm:s0], s1  }
0x301: {  	s0 =	simm.s32 @!p0 $0x8  }
0x302: {  	_ =	swait.ge @!p0 [sflag:s0], s1  }
0x303: {  	s1 =	ssub.s32 @!p0 $0x0, s1;
	[sflag:s0] =	ssyncset.done @!p0 $0x0  }
0x304: {  	[sflag:s0] =	ssyncadd.s32 @!p0 s1  }
0x305: {  	[bflag:$0x3] =	sbarrier.arrive $0xFFFF  }
0x306: {  	_ =	shalt  }

</sc_bundles>
